<compile_context>
chip_gen: v7x
topology: tpu7x:2x2x1
jax: 0.10.2.dev20260603
libtpu: 0.0.44.dev20260713+nightly
codegen_flags: <defaults>
</compile_context>

<pallas_src>
import functools

import jax
import jax.numpy as jnp
from jax import lax
from jax.experimental import pallas as pl
from jax.experimental.pallas import tpu as pltpu
from jax.experimental.pallas import tpu_sc as plsc

VOCAB = 100000
DIM = 64
BATCH = 16384
SCALE = 10.0
EPS = 1e-8

_VCH = 8192
_NG = -(-VOCAB // _VCH)
_PROWS = _NG * _VCH // 2


def _transpose_pack_body(ctrT_ref, ctxT_ref, ctr_ref, ctx_ref):
    h = _VCH // 2
    for src, dst in ((ctrT_ref, ctr_ref), (ctxT_ref, ctx_ref)):
        x = src[...]
        dst[...] = jnp.concatenate(
            [jnp.transpose(x[:, :h]), jnp.transpose(x[:, h:])], axis=1)


def _transpose_pack(ctrT, ctxT):
    out_t = jax.ShapeDtypeStruct((_PROWS, 2 * DIM), jnp.float32)
    return pl.pallas_call(
        _transpose_pack_body,
        grid=(_NG,),
        in_specs=[pl.BlockSpec((DIM, _VCH), lambda i: (0, i))] * 2,
        out_specs=[pl.BlockSpec((_VCH // 2, 2 * DIM), lambda i: (i, 0))] * 2,
        out_shape=[out_t, out_t],
    )(ctrT, ctxT)


def _sc_gather3(iword, oword, onword, ctr_pairs, ctx_pairs):
    info = plsc.get_sparse_core_info()
    nc, ns = info.num_cores, info.num_subcores
    nw = nc * ns
    b_per_w = BATCH // nw
    half = b_per_w // 2

    out_t = jax.ShapeDtypeStruct((BATCH, 2 * DIM), jnp.float32)

    @functools.partial(
        pl.kernel,
        out_type=[out_t, out_t, out_t],
        mesh=plsc.VectorSubcoreMesh(core_axis_name="c", subcore_axis_name="s"),
        scratch_types=[
            pltpu.VMEM((b_per_w,), jnp.int32),
            pltpu.VMEM((b_per_w,), jnp.int32),
            pltpu.VMEM((half, 2 * DIM), jnp.float32),
            pltpu.SemaphoreType.DMA,
            pltpu.SemaphoreType.DMA,
        ],
    )
    def gather_k(iw_hbm, ow_hbm, onw_hbm, ctr_hbm, ctx_hbm,
                 iv_hbm, ov_hbm, onv_hbm, idx_v, pidx_v, pairs_v, sem, osem):
        wid = lax.axis_index("s") * nc + lax.axis_index("c")
        base = wid * b_per_w
        for idx_hbm, tab_hbm, out_hbm in (
            (iw_hbm, ctr_hbm, iv_hbm),
            (ow_hbm, ctx_hbm, ov_hbm),
            (onw_hbm, ctx_hbm, onv_hbm),
        ):
            pltpu.sync_copy(idx_hbm.at[pl.ds(base, b_per_w)], idx_v)

            def to_pairs(j):
                r = idx_v[pl.ds(j, 16)]
                pidx_v[pl.ds(j, 16)] = jax.lax.shift_left(
                    jax.lax.shift_right_logical(r, 13), 12) + jnp.bitwise_and(
                        r, 4095)

            pl.loop(0, b_per_w, step=16)(to_pairs)
            for h in range(2):
                pltpu.async_copy(
                    tab_hbm.at[pidx_v.at[pl.ds(h * half, half)]],
                    pairs_v, sem).wait()
                pltpu.async_copy(
                    pairs_v,
                    out_hbm.at[pl.ds(base + h * half, half)], osem).wait()

    return gather_k(iword, oword, onword, ctr_pairs, ctx_pairs)


def _loss_body(iv_ref, ov_ref, onv_ref, pi_ref, po_ref, pon_ref, out_ref):
    @pl.when(pl.program_id(0) == 0)
    def _init():
        out_ref[...] = jnp.zeros_like(out_ref)

    def sel(x_ref, p_ref):
        x = x_ref[...]
        p = p_ref[...]
        return x[:, :DIM] * (1.0 - p) + x[:, DIM:] * p

    iv = sel(iv_ref, pi_ref)
    ov = sel(ov_ref, po_ref)
    onv = sel(onv_ref, pon_ref)
    ni = jnp.sqrt(jnp.sum(iv * iv, axis=1)) + EPS
    no = jnp.sqrt(jnp.sum(ov * ov, axis=1)) + EPS
    non = jnp.sqrt(jnp.sum(onv * onv, axis=1)) + EPS
    dio = jnp.sum(iv * ov, axis=1)
    dion = jnp.sum(iv * onv, axis=1)
    x1 = -SCALE * (1.0 - dio / (ni * no))
    x2 = SCALE * (1.0 - dion / (ni * non))
    oloss = jnp.minimum(x1, 0.0) - jnp.log1p(jnp.exp(-jnp.abs(x1)))
    nloss = jnp.minimum(x2, 0.0) - jnp.log1p(jnp.exp(-jnp.abs(x2)))
    total = -jnp.sum(oloss + nloss) / BATCH
    out_ref[...] += jnp.broadcast_to(total, (1, 1))


def kernel(iword, oword, onword, center_table, context_table):
    iword = iword.astype(jnp.int32)
    oword = oword.astype(jnp.int32)
    onword = onword.astype(jnp.int32)
    ctr_pairs, ctx_pairs = _transpose_pack(center_table.T, context_table.T)
    iv, ov, onv = _sc_gather3(iword, oword, onword, ctr_pairs, ctx_pairs)
    par = [
        jnp.bitwise_and(jax.lax.shift_right_logical(w, 12), 1)
        .astype(jnp.float32).reshape(BATCH, 1)
        for w in (iword, oword, onword)
    ]
    blk = 4096
    out = pl.pallas_call(
        _loss_body,
        grid=(BATCH // blk,),
        in_specs=[pl.BlockSpec((blk, 2 * DIM), lambda i: (i, 0))] * 3
        + [pl.BlockSpec((blk, 1), lambda i: (i, 0))] * 3,
        out_specs=pl.BlockSpec((1, 1), lambda i: (0, 0)),
        out_shape=jax.ShapeDtypeStruct((1, 1), jnp.float32),
    )(iv, ov, onv, *par)
    return out[0, 0]

# --- scband reference (transcript-rebuilt; emitter-appended) ---
"""Pipeline reference for scband-triplet-loss-58119497450061 (READ-ONLY COPY).

The authoritative reference and input builder live on the scoring server;
editing this copy changes nothing except your own understanding.
"""

import jax, jax.numpy as jnp
import numpy as np

VOCAB = 100000
DIM = 64
BATCH = 16384
SCALE = 10.0
EPS = 1e-8


def setup_inputs(seed: int = 0) -> dict:
    key = jax.random.key(seed)
    k1, k2, k3, k4, k5 = jax.random.split(key, 5)
    return {
        "iword": jax.random.randint(k1, (BATCH,), 0, VOCAB, dtype=jnp.int64) if jax.config.jax_enable_x64 else jax.random.randint(k1, (BATCH,), 0, VOCAB, dtype=jnp.int32),
        "oword": jax.random.randint(k2, (BATCH,), 0, VOCAB, dtype=jnp.int32),
        "onword": jax.random.randint(k3, (BATCH,), 0, VOCAB, dtype=jnp.int32),
        "center_table": jax.random.normal(k4, (VOCAB, DIM), dtype=jnp.float32) * 0.1,
        "context_table": jax.random.normal(k5, (VOCAB, DIM), dtype=jnp.float32) * 0.1,
    }


def _cosine_distance(a, b):
    an = a / (jnp.linalg.norm(a, axis=-1, keepdims=True) + EPS)
    bn = b / (jnp.linalg.norm(b, axis=-1, keepdims=True) + EPS)
    return 1.0 - jnp.sum(an * bn, axis=-1)


def reference(iword, oword, onword, center_table, context_table):
    # embedding lookups: center layer for input word, context layer for output / negative words
    ivectors = jnp.take(center_table, iword, axis=0)
    ovectors = jnp.take(context_table, oword, axis=0)
    onvectors = jnp.take(context_table, onword, axis=0)
    # oloss = logsigmoid(-scale * dist(i, o))
    oloss = jax.nn.log_sigmoid(-SCALE * _cosine_distance(ivectors, ovectors))
    # nloss = logsigmoid(-scale * (-dist(i, on))) = logsigmoid(scale * dist(i, on))
    nloss = jax.nn.log_sigmoid(SCALE * _cosine_distance(ivectors, onvectors))
    return -(oloss + nloss).mean()

if __name__ == "__main__":
    import jax
    _d = setup_inputs()
    print(jax.jit(kernel)(*tuple(_d.values())))

</pallas_src>

<mosaic_0001>
#map = affine_map<(d0, d1) -> (0)>
#map1 = affine_map<(d0, d1) -> (0, 0)>
module attributes {stable_mosaic.version = 14 : i64} {
  func.func @gather_k(%arg0: i32, %arg1: i32, %arg2: memref<16384xi32, #tpu.memory_space<hbm>>, %arg3: memref<16384xi32, #tpu.memory_space<hbm>>, %arg4: memref<16384xi32, #tpu.memory_space<hbm>>, %arg5: memref<53248x128xf32, #tpu.memory_space<hbm>>, %arg6: memref<53248x128xf32, #tpu.memory_space<hbm>>, %arg7: memref<16384x128xf32, #tpu.memory_space<hbm>>, %arg8: memref<16384x128xf32, #tpu.memory_space<hbm>>, %arg9: memref<16384x128xf32, #tpu.memory_space<hbm>>, %arg10: memref<512xi32, #tpu.memory_space<vmem>>, %arg11: memref<512xi32, #tpu.memory_space<vmem>>, %arg12: memref<256x128xf32, #tpu.memory_space<vmem>>, %arg13: memref<!tpu.dma_semaphore, #tpu.memory_space<semaphore_mem>>, %arg14: memref<!tpu.dma_semaphore, #tpu.memory_space<semaphore_mem>>) attributes {dimension_semantics = [#tpu.dimension_semantics<core_parallel>, #tpu.dimension_semantics<subcore_parallel>], iteration_bounds = array<i64: 2, 16>, scalar_prefetch = 0 : i64, scratch_operands = 5 : i64, tpu.core_type = #tpu.core_type<sc_vector_subcore>, window_params = [{transform_indices = #map}, {transform_indices = #map}, {transform_indices = #map}, {transform_indices = #map1}, {transform_indices = #map1}, {transform_indices = #map1}, {transform_indices = #map1}, {transform_indices = #map1}]} {
    %mul3A = arith.constant 2 : i32
    %mul3A_0 = arith.muli %arg1, %mul3A : i32
    %add3A = arith.addi %mul3A_0, %arg0 : i32
    %mul3A_1 = arith.constant 512 : i32
    %mul3A_2 = arith.muli %add3A, %mul3A_1 : i32
    "tpu.region"() ({
      %run_scoped3A = tpu.sem_alloc : memref<!tpu.dma_semaphore, #tpu.memory_space<semaphore_mem>>
      %dma_start3A_135 = tpu.memref_slice %arg2[%mul3A_2] : memref<16384xi32, #tpu.memory_space<hbm>> -> memref<512xi32, #tpu.memory_space<hbm>>
      %dma_start3A_136 = tpu.memref_slice %arg2[%mul3A_2] : memref<16384xi32, #tpu.memory_space<hbm>> -> memref<512xi32, #tpu.memory_space<hbm>>
      tpu.enqueue_dma source(%dma_start3A_136 : memref<512xi32, #tpu.memory_space<hbm>>) target(%arg10 : memref<512xi32, #tpu.memory_space<vmem>>) target_semaphore(%run_scoped3A : memref<!tpu.dma_semaphore, #tpu.memory_space<semaphore_mem>>)
      %dma_wait3A_137 = tpu.memref_slice %arg2[%mul3A_2] : memref<16384xi32, #tpu.memory_space<hbm>> -> memref<512xi32, #tpu.memory_space<hbm>>
      %dma_wait3A_138 = tpu.memref_slice %arg2[%mul3A_2] : memref<16384xi32, #tpu.memory_space<hbm>> -> memref<512xi32, #tpu.memory_space<hbm>>
      tpu.wait_dma2 semaphore(%run_scoped3A : memref<!tpu.dma_semaphore, #tpu.memory_space<semaphore_mem>>) src(%dma_wait3A_138 : memref<512xi32, #tpu.memory_space<hbm>>) dst(%arg10 : memref<512xi32, #tpu.memory_space<vmem>>)
      tpu.yield
    }) : () -> ()
    %scan3A = arith.constant 0 : i32
    %scan3A_3 = arith.constant 32 : i32
    %scan3A_4 = arith.addi %scan3A, %scan3A_3 : i32
    %scan3A_5 = arith.constant 1 : i32
    scf.for %scan3A_135 = %scan3A to %scan3A_4 step %scan3A_5  : i32 {
      %mul3A_136 = arith.constant 16 : i32
      %mul3A_137 = arith.muli %scan3A_135, %mul3A_136 : i32
      %add3A_138 = arith.constant 0 : i32
      %add3A_139 = arith.addi %add3A_138, %mul3A_137 : i32
      %get3A = arith.index_cast %add3A_139 : i32 to index
      %get3A_140 = tpu.vector_load %arg10[%get3A] {strides = array<i32>} : memref<512xi32, #tpu.memory_space<vmem>>, vector<16xi32>,
      %get3A_141 = vector.shape_cast %get3A_140 : vector<16xi32> to vector<16xi32>
      %shift_right_logical3A = arith.constant 13 : i32
      %shift_right_logical3A_142 = vector.broadcast %shift_right_logical3A : i32 to vector<16xi32>
      %shift_right_logical3A_143 = arith.shrui %get3A_141, %shift_right_logical3A_142 : vector<16xi32>
      %shift_left3A = arith.constant 12 : i32
      %shift_left3A_144 = vector.broadcast %shift_left3A : i32 to vector<16xi32>
      %shift_left3A_145 = arith.shli %shift_right_logical3A_143, %shift_left3A_144 : vector<16xi32>
      %and3A = arith.constant 4095 : i32
      %and3A_146 = vector.broadcast %and3A : i32 to vector<16xi32>
      %and3A_147 = arith.andi %get3A_141, %and3A_146 : vector<16xi32>
      %add3A_148 = arith.addi %shift_left3A_145, %and3A_147 : vector<16xi32>
      %swap3A = arith.index_cast %add3A_139 : i32 to index
      %swap3A_149 = tpu.vector_load %arg11[%swap3A] {strides = array<i32>} : memref<512xi32, #tpu.memory_space<vmem>>, vector<16xi32>,
      %swap3A_150 = vector.shape_cast %swap3A_149 : vector<16xi32> to vector<16xi32>
      %swap3A_151 = vector.shape_cast %add3A_148 : vector<16xi32> to vector<16xi32>
      tpu.vector_store %arg11[%swap3A], %swap3A_151 {strides = array<i32>} : memref<512xi32, #tpu.memory_space<vmem>>, vector<16xi32>,
    }
    %scan3A_6 = arith.constant 32 : i32
    %dma_start3A = arith.constant 0 : i32
    %dma_start3A_7 = tpu.memref_slice %arg11[%dma_start3A] : memref<512xi32, #tpu.memory_space<vmem>> -> memref<256xi32, #tpu.memory_space<vmem>>
    %dma_start3A_8 = arith.constant 0 : i32
    %dma_start3A_9 = arith.constant 0 : i32
    %dma_start3A_10 = tpu.memref_slice %arg5[%dma_start3A_8, %dma_start3A_9] : memref<53248x128xf32, #tpu.memory_space<hbm>> -> memref<53248x128xf32, #tpu.memory_space<hbm>>
    tpu.enqueue_indirect_dma source(%dma_start3A_10 : memref<53248x128xf32, #tpu.memory_space<hbm>>) target(%arg12 : memref<256x128xf32, #tpu.memory_space<vmem>>) offsets(%dma_start3A_7 : memref<256xi32, #tpu.memory_space<vmem>>) semaphore(%arg13 : memref<!tpu.dma_semaphore, #tpu.memory_space<semaphore_mem>>)
    %dma_wait3A = arith.constant 0 : i32
    %dma_wait3A_11 = tpu.memref_slice %arg11[%dma_wait3A] : memref<512xi32, #tpu.memory_space<vmem>> -> memref<256xi32, #tpu.memory_space<vmem>>
    %dma_wait3A_12 = arith.constant 0 : i32
    %dma_wait3A_13 = arith.constant 0 : i32
    %dma_wait3A_14 = tpu.memref_slice %arg5[%dma_wait3A_12, %dma_wait3A_13] : memref<53248x128xf32, #tpu.memory_space<hbm>> -> memref<53248x128xf32, #tpu.memory_space<hbm>>
    tpu.wait_indirect_dma semaphore(%arg13 : memref<!tpu.dma_semaphore, #tpu.memory_space<semaphore_mem>>) src(%dma_wait3A_14 : memref<53248x128xf32, #tpu.memory_space<hbm>>) dst(%arg12 : memref<256x128xf32, #tpu.memory_space<vmem>>)
    %add3A_15 = arith.constant 0 : i32
    %add3A_16 = arith.addi %mul3A_2, %add3A_15 : i32
    %dma_start3A_17 = arith.constant 0 : i32
    %dma_start3A_18 = tpu.memref_slice %arg7[%add3A_16, %dma_start3A_17] : memref<16384x128xf32, #tpu.memory_space<hbm>> -> memref<256x128xf32, #tpu.memory_space<hbm>>
    %dma_start3A_19 = arith.constant 0 : i32
    %dma_start3A_20 = tpu.memref_slice %arg7[%add3A_16, %dma_start3A_19] : memref<16384x128xf32, #tpu.memory_space<hbm>> -> memref<256x128xf32, #tpu.memory_space<hbm>>
    tpu.enqueue_dma source(%arg12 : memref<256x128xf32, #tpu.memory_space<vmem>>) target(%dma_start3A_20 : memref<256x128xf32, #tpu.memory_space<hbm>>) target_semaphore(%arg14 : memref<!tpu.dma_semaphore, #tpu.memory_space<semaphore_mem>>)
    %dma_wait3A_21 = arith.constant 0 : i32
    %dma_wait3A_22 = tpu.memref_slice %arg7[%add3A_16, %dma_wait3A_21] : memref<16384x128xf32, #tpu.memory_space<hbm>> -> memref<256x128xf32, #tpu.memory_space<hbm>>
    %dma_wait3A_23 = arith.constant 0 : i32
    %dma_wait3A_24 = tpu.memref_slice %arg7[%add3A_16, %dma_wait3A_23] : memref<16384x128xf32, #tpu.memory_space<hbm>> -> memref<256x128xf32, #tpu.memory_space<hbm>>
    tpu.wait_dma2 semaphore(%arg14 : memref<!tpu.dma_semaphore, #tpu.memory_space<semaphore_mem>>) src(%arg12 : memref<256x128xf32, #tpu.memory_space<vmem>>) dst(%dma_wait3A_24 : memref<256x128xf32, #tpu.memory_space<hbm>>)
    %dma_start3A_25 = arith.constant 256 : i32
    %dma_start3A_26 = tpu.memref_slice %arg11[%dma_start3A_25] : memref<512xi32, #tpu.memory_space<vmem>> -> memref<256xi32, #tpu.memory_space<vmem>>
    %dma_start3A_27 = arith.constant 0 : i32
    %dma_start3A_28 = arith.constant 0 : i32
    %dma_start3A_29 = tpu.memref_slice %arg5[%dma_start3A_27, %dma_start3A_28] : memref<53248x128xf32, #tpu.memory_space<hbm>> -> memref<53248x128xf32, #tpu.memory_space<hbm>>
    tpu.enqueue_indirect_dma source(%dma_start3A_29 : memref<53248x128xf32, #tpu.memory_space<hbm>>) target(%arg12 : memref<256x128xf32, #tpu.memory_space<vmem>>) offsets(%dma_start3A_26 : memref<256xi32, #tpu.memory_space<vmem>>) semaphore(%arg13 : memref<!tpu.dma_semaphore, #tpu.memory_space<semaphore_mem>>)
    %dma_wait3A_30 = arith.constant 256 : i32
    %dma_wait3A_31 = tpu.memref_slice %arg11[%dma_wait3A_30] : memref<512xi32, #tpu.memory_space<vmem>> -> memref<256xi32, #tpu.memory_space<vmem>>
    %dma_wait3A_32 = arith.constant 0 : i32
    %dma_wait3A_33 = arith.constant 0 : i32
    %dma_wait3A_34 = tpu.memref_slice %arg5[%dma_wait3A_32, %dma_wait3A_33] : memref<53248x128xf32, #tpu.memory_space<hbm>> -> memref<53248x128xf32, #tpu.memory_space<hbm>>
    tpu.wait_indirect_dma semaphore(%arg13 : memref<!tpu.dma_semaphore, #tpu.memory_space<semaphore_mem>>) src(%dma_wait3A_34 : memref<53248x128xf32, #tpu.memory_space<hbm>>) dst(%arg12 : memref<256x128xf32, #tpu.memory_space<vmem>>)
    %add3A_35 = arith.constant 256 : i32
    %add3A_36 = arith.addi %mul3A_2, %add3A_35 : i32
    %dma_start3A_37 = arith.constant 0 : i32
    %dma_start3A_38 = tpu.memref_slice %arg7[%add3A_36, %dma_start3A_37] : memref<16384x128xf32, #tpu.memory_space<hbm>> -> memref<256x128xf32, #tpu.memory_space<hbm>>
    %dma_start3A_39 = arith.constant 0 : i32
    %dma_start3A_40 = tpu.memref_slice %arg7[%add3A_36, %dma_start3A_39] : memref<16384x128xf32, #tpu.memory_space<hbm>> -> memref<256x128xf32, #tpu.memory_space<hbm>>
    tpu.enqueue_dma source(%arg12 : memref<256x128xf32, #tpu.memory_space<vmem>>) target(%dma_start3A_40 : memref<256x128xf32, #tpu.memory_space<hbm>>) target_semaphore(%arg14 : memref<!tpu.dma_semaphore, #tpu.memory_space<semaphore_mem>>)
    %dma_wait3A_41 = arith.constant 0 : i32
    %dma_wait3A_42 = tpu.memref_slice %arg7[%add3A_36, %dma_wait3A_41] : memref<16384x128xf32, #tpu.memory_space<hbm>> -> memref<256x128xf32, #tpu.memory_space<hbm>>
    %dma_wait3A_43 = arith.constant 0 : i32
    %dma_wait3A_44 = tpu.memref_slice %arg7[%add3A_36, %dma_wait3A_43] : memref<16384x128xf32, #tpu.memory_space<hbm>> -> memref<256x128xf32, #tpu.memory_space<hbm>>
    tpu.wait_dma2 semaphore(%arg14 : memref<!tpu.dma_semaphore, #tpu.memory_space<semaphore_mem>>) src(%arg12 : memref<256x128xf32, #tpu.memory_space<vmem>>) dst(%dma_wait3A_44 : memref<256x128xf32, #tpu.memory_space<hbm>>)
    "tpu.region"() ({
      %run_scoped3A = tpu.sem_alloc : memref<!tpu.dma_semaphore, #tpu.memory_space<semaphore_mem>>
      %dma_start3A_135 = tpu.memref_slice %arg3[%mul3A_2] : memref<16384xi32, #tpu.memory_space<hbm>> -> memref<512xi32, #tpu.memory_space<hbm>>
      %dma_start3A_136 = tpu.memref_slice %arg3[%mul3A_2] : memref<16384xi32, #tpu.memory_space<hbm>> -> memref<512xi32, #tpu.memory_space<hbm>>
      tpu.enqueue_dma source(%dma_start3A_136 : memref<512xi32, #tpu.memory_space<hbm>>) target(%arg10 : memref<512xi32, #tpu.memory_space<vmem>>) target_semaphore(%run_scoped3A : memref<!tpu.dma_semaphore, #tpu.memory_space<semaphore_mem>>)
      %dma_wait3A_137 = tpu.memref_slice %arg3[%mul3A_2] : memref<16384xi32, #tpu.memory_space<hbm>> -> memref<512xi32, #tpu.memory_space<hbm>>
      %dma_wait3A_138 = tpu.memref_slice %arg3[%mul3A_2] : memref<16384xi32, #tpu.memory_space<hbm>> -> memref<512xi32, #tpu.memory_space<hbm>>
      tpu.wait_dma2 semaphore(%run_scoped3A : memref<!tpu.dma_semaphore, #tpu.memory_space<semaphore_mem>>) src(%dma_wait3A_138 : memref<512xi32, #tpu.memory_space<hbm>>) dst(%arg10 : memref<512xi32, #tpu.memory_space<vmem>>)
      tpu.yield
    }) : () -> ()
    %scan3A_45 = arith.constant 0 : i32
    %scan3A_46 = arith.constant 32 : i32
    %scan3A_47 = arith.addi %scan3A_45, %scan3A_46 : i32
    %scan3A_48 = arith.constant 1 : i32
    scf.for %scan3A_135 = %scan3A_45 to %scan3A_47 step %scan3A_48  : i32 {
      %mul3A_136 = arith.constant 16 : i32
      %mul3A_137 = arith.muli %scan3A_135, %mul3A_136 : i32
      %add3A_138 = arith.constant 0 : i32
      %add3A_139 = arith.addi %add3A_138, %mul3A_137 : i32
      %get3A = arith.index_cast %add3A_139 : i32 to index
      %get3A_140 = tpu.vector_load %arg10[%get3A] {strides = array<i32>} : memref<512xi32, #tpu.memory_space<vmem>>, vector<16xi32>,
      %get3A_141 = vector.shape_cast %get3A_140 : vector<16xi32> to vector<16xi32>
      %shift_right_logical3A = arith.constant 13 : i32
      %shift_right_logical3A_142 = vector.broadcast %shift_right_logical3A : i32 to vector<16xi32>
      %shift_right_logical3A_143 = arith.shrui %get3A_141, %shift_right_logical3A_142 : vector<16xi32>
      %shift_left3A = arith.constant 12 : i32
      %shift_left3A_144 = vector.broadcast %shift_left3A : i32 to vector<16xi32>
      %shift_left3A_145 = arith.shli %shift_right_logical3A_143, %shift_left3A_144 : vector<16xi32>
      %and3A = arith.constant 4095 : i32
      %and3A_146 = vector.broadcast %and3A : i32 to vector<16xi32>
      %and3A_147 = arith.andi %get3A_141, %and3A_146 : vector<16xi32>
      %add3A_148 = arith.addi %shift_left3A_145, %and3A_147 : vector<16xi32>
      %swap3A = arith.index_cast %add3A_139 : i32 to index
      %swap3A_149 = tpu.vector_load %arg11[%swap3A] {strides = array<i32>} : memref<512xi32, #tpu.memory_space<vmem>>, vector<16xi32>,
      %swap3A_150 = vector.shape_cast %swap3A_149 : vector<16xi32> to vector<16xi32>
      %swap3A_151 = vector.shape_cast %add3A_148 : vector<16xi32> to vector<16xi32>
      tpu.vector_store %arg11[%swap3A], %swap3A_151 {strides = array<i32>} : memref<512xi32, #tpu.memory_space<vmem>>, vector<16xi32>,
    }
    %scan3A_49 = arith.constant 32 : i32
    %dma_start3A_50 = arith.constant 0 : i32
    %dma_start3A_51 = tpu.memref_slice %arg11[%dma_start3A_50] : memref<512xi32, #tpu.memory_space<vmem>> -> memref<256xi32, #tpu.memory_space<vmem>>
    %dma_start3A_52 = arith.constant 0 : i32
    %dma_start3A_53 = arith.constant 0 : i32
    %dma_start3A_54 = tpu.memref_slice %arg6[%dma_start3A_52, %dma_start3A_53] : memref<53248x128xf32, #tpu.memory_space<hbm>> -> memref<53248x128xf32, #tpu.memory_space<hbm>>
    tpu.enqueue_indirect_dma source(%dma_start3A_54 : memref<53248x128xf32, #tpu.memory_space<hbm>>) target(%arg12 : memref<256x128xf32, #tpu.memory_space<vmem>>) offsets(%dma_start3A_51 : memref<256xi32, #tpu.memory_space<vmem>>) semaphore(%arg13 : memref<!tpu.dma_semaphore, #tpu.memory_space<semaphore_mem>>)
    %dma_wait3A_55 = arith.constant 0 : i32
    %dma_wait3A_56 = tpu.memref_slice %arg11[%dma_wait3A_55] : memref<512xi32, #tpu.memory_space<vmem>> -> memref<256xi32, #tpu.memory_space<vmem>>
    %dma_wait3A_57 = arith.constant 0 : i32
    %dma_wait3A_58 = arith.constant 0 : i32
    %dma_wait3A_59 = tpu.memref_slice %arg6[%dma_wait3A_57, %dma_wait3A_58] : memref<53248x128xf32, #tpu.memory_space<hbm>> -> memref<53248x128xf32, #tpu.memory_space<hbm>>
    tpu.wait_indirect_dma semaphore(%arg13 : memref<!tpu.dma_semaphore, #tpu.memory_space<semaphore_mem>>) src(%dma_wait3A_59 : memref<53248x128xf32, #tpu.memory_space<hbm>>) dst(%arg12 : memref<256x128xf32, #tpu.memory_space<vmem>>)
    %add3A_60 = arith.constant 0 : i32
    %add3A_61 = arith.addi %mul3A_2, %add3A_60 : i32
    %dma_start3A_62 = arith.constant 0 : i32
    %dma_start3A_63 = tpu.memref_slice %arg8[%add3A_61, %dma_start3A_62] : memref<16384x128xf32, #tpu.memory_space<hbm>> -> memref<256x128xf32, #tpu.memory_space<hbm>>
    %dma_start3A_64 = arith.constant 0 : i32
    %dma_start3A_65 = tpu.memref_slice %arg8[%add3A_61, %dma_start3A_64] : memref<16384x128xf32, #tpu.memory_space<hbm>> -> memref<256x128xf32, #tpu.memory_space<hbm>>
    tpu.enqueue_dma source(%arg12 : memref<256x128xf32, #tpu.memory_space<vmem>>) target(%dma_start3A_65 : memref<256x128xf32, #tpu.memory_space<hbm>>) target_semaphore(%arg14 : memref<!tpu.dma_semaphore, #tpu.memory_space<semaphore_mem>>)
    %dma_wait3A_66 = arith.constant 0 : i32
    %dma_wait3A_67 = tpu.memref_slice %arg8[%add3A_61, %dma_wait3A_66] : memref<16384x128xf32, #tpu.memory_space<hbm>> -> memref<256x128xf32, #tpu.memory_space<hbm>>
    %dma_wait3A_68 = arith.constant 0 : i32
    %dma_wait3A_69 = tpu.memref_slice %arg8[%add3A_61, %dma_wait3A_68] : memref<16384x128xf32, #tpu.memory_space<hbm>> -> memref<256x128xf32, #tpu.memory_space<hbm>>
    tpu.wait_dma2 semaphore(%arg14 : memref<!tpu.dma_semaphore, #tpu.memory_space<semaphore_mem>>) src(%arg12 : memref<256x128xf32, #tpu.memory_space<vmem>>) dst(%dma_wait3A_69 : memref<256x128xf32, #tpu.memory_space<hbm>>)
    %dma_start3A_70 = arith.constant 256 : i32
    %dma_start3A_71 = tpu.memref_slice %arg11[%dma_start3A_70] : memref<512xi32, #tpu.memory_space<vmem>> -> memref<256xi32, #tpu.memory_space<vmem>>
    %dma_start3A_72 = arith.constant 0 : i32
    %dma_start3A_73 = arith.constant 0 : i32
    %dma_start3A_74 = tpu.memref_slice %arg6[%dma_start3A_72, %dma_start3A_73] : memref<53248x128xf32, #tpu.memory_space<hbm>> -> memref<53248x128xf32, #tpu.memory_space<hbm>>
    tpu.enqueue_indirect_dma source(%dma_start3A_74 : memref<53248x128xf32, #tpu.memory_space<hbm>>) target(%arg12 : memref<256x128xf32, #tpu.memory_space<vmem>>) offsets(%dma_start3A_71 : memref<256xi32, #tpu.memory_space<vmem>>) semaphore(%arg13 : memref<!tpu.dma_semaphore, #tpu.memory_space<semaphore_mem>>)
    %dma_wait3A_75 = arith.constant 256 : i32
    %dma_wait3A_76 = tpu.memref_slice %arg11[%dma_wait3A_75] : memref<512xi32, #tpu.memory_space<vmem>> -> memref<256xi32, #tpu.memory_space<vmem>>
    %dma_wait3A_77 = arith.constant 0 : i32
    %dma_wait3A_78 = arith.constant 0 : i32
    %dma_wait3A_79 = tpu.memref_slice %arg6[%dma_wait3A_77, %dma_wait3A_78] : memref<53248x128xf32, #tpu.memory_space<hbm>> -> memref<53248x128xf32, #tpu.memory_space<hbm>>
    tpu.wait_indirect_dma semaphore(%arg13 : memref<!tpu.dma_semaphore, #tpu.memory_space<semaphore_mem>>) src(%dma_wait3A_79 : memref<53248x128xf32, #tpu.memory_space<hbm>>) dst(%arg12 : memref<256x128xf32, #tpu.memory_space<vmem>>)
    %add3A_80 = arith.constant 256 : i32
    %add3A_81 = arith.addi %mul3A_2, %add3A_80 : i32
    %dma_start3A_82 = arith.constant 0 : i32
    %dma_start3A_83 = tpu.memref_slice %arg8[%add3A_81, %dma_start3A_82] : memref<16384x128xf32, #tpu.memory_space<hbm>> -> memref<256x128xf32, #tpu.memory_space<hbm>>
    %dma_start3A_84 = arith.constant 0 : i32
    %dma_start3A_85 = tpu.memref_slice %arg8[%add3A_81, %dma_start3A_84] : memref<16384x128xf32, #tpu.memory_space<hbm>> -> memref<256x128xf32, #tpu.memory_space<hbm>>
    tpu.enqueue_dma source(%arg12 : memref<256x128xf32, #tpu.memory_space<vmem>>) target(%dma_start3A_85 : memref<256x128xf32, #tpu.memory_space<hbm>>) target_semaphore(%arg14 : memref<!tpu.dma_semaphore, #tpu.memory_space<semaphore_mem>>)
    %dma_wait3A_86 = arith.constant 0 : i32
    %dma_wait3A_87 = tpu.memref_slice %arg8[%add3A_81, %dma_wait3A_86] : memref<16384x128xf32, #tpu.memory_space<hbm>> -> memref<256x128xf32, #tpu.memory_space<hbm>>
    %dma_wait3A_88 = arith.constant 0 : i32
    %dma_wait3A_89 = tpu.memref_slice %arg8[%add3A_81, %dma_wait3A_88] : memref<16384x128xf32, #tpu.memory_space<hbm>> -> memref<256x128xf32, #tpu.memory_space<hbm>>
    tpu.wait_dma2 semaphore(%arg14 : memref<!tpu.dma_semaphore, #tpu.memory_space<semaphore_mem>>) src(%arg12 : memref<256x128xf32, #tpu.memory_space<vmem>>) dst(%dma_wait3A_89 : memref<256x128xf32, #tpu.memory_space<hbm>>)
    "tpu.region"() ({
      %run_scoped3A = tpu.sem_alloc : memref<!tpu.dma_semaphore, #tpu.memory_space<semaphore_mem>>
      %dma_start3A_135 = tpu.memref_slice %arg4[%mul3A_2] : memref<16384xi32, #tpu.memory_space<hbm>> -> memref<512xi32, #tpu.memory_space<hbm>>
      %dma_start3A_136 = tpu.memref_slice %arg4[%mul3A_2] : memref<16384xi32, #tpu.memory_space<hbm>> -> memref<512xi32, #tpu.memory_space<hbm>>
      tpu.enqueue_dma source(%dma_start3A_136 : memref<512xi32, #tpu.memory_space<hbm>>) target(%arg10 : memref<512xi32, #tpu.memory_space<vmem>>) target_semaphore(%run_scoped3A : memref<!tpu.dma_semaphore, #tpu.memory_space<semaphore_mem>>)
      %dma_wait3A_137 = tpu.memref_slice %arg4[%mul3A_2] : memref<16384xi32, #tpu.memory_space<hbm>> -> memref<512xi32, #tpu.memory_space<hbm>>
      %dma_wait3A_138 = tpu.memref_slice %arg4[%mul3A_2] : memref<16384xi32, #tpu.memory_space<hbm>> -> memref<512xi32, #tpu.memory_space<hbm>>
      tpu.wait_dma2 semaphore(%run_scoped3A : memref<!tpu.dma_semaphore, #tpu.memory_space<semaphore_mem>>) src(%dma_wait3A_138 : memref<512xi32, #tpu.memory_space<hbm>>) dst(%arg10 : memref<512xi32, #tpu.memory_space<vmem>>)
      tpu.yield
    }) : () -> ()
    %scan3A_90 = arith.constant 0 : i32
    %scan3A_91 = arith.constant 32 : i32
    %scan3A_92 = arith.addi %scan3A_90, %scan3A_91 : i32
    %scan3A_93 = arith.constant 1 : i32
    scf.for %scan3A_135 = %scan3A_90 to %scan3A_92 step %scan3A_93  : i32 {
      %mul3A_136 = arith.constant 16 : i32
      %mul3A_137 = arith.muli %scan3A_135, %mul3A_136 : i32
      %add3A_138 = arith.constant 0 : i32
      %add3A_139 = arith.addi %add3A_138, %mul3A_137 : i32
      %get3A = arith.index_cast %add3A_139 : i32 to index
      %get3A_140 = tpu.vector_load %arg10[%get3A] {strides = array<i32>} : memref<512xi32, #tpu.memory_space<vmem>>, vector<16xi32>,
      %get3A_141 = vector.shape_cast %get3A_140 : vector<16xi32> to vector<16xi32>
      %shift_right_logical3A = arith.constant 13 : i32
      %shift_right_logical3A_142 = vector.broadcast %shift_right_logical3A : i32 to vector<16xi32>
      %shift_right_logical3A_143 = arith.shrui %get3A_141, %shift_right_logical3A_142 : vector<16xi32>
      %shift_left3A = arith.constant 12 : i32
      %shift_left3A_144 = vector.broadcast %shift_left3A : i32 to vector<16xi32>
      %shift_left3A_145 = arith.shli %shift_right_logical3A_143, %shift_left3A_144 : vector<16xi32>
      %and3A = arith.constant 4095 : i32
      %and3A_146 = vector.broadcast %and3A : i32 to vector<16xi32>
      %and3A_147 = arith.andi %get3A_141, %and3A_146 : vector<16xi32>
      %add3A_148 = arith.addi %shift_left3A_145, %and3A_147 : vector<16xi32>
      %swap3A = arith.index_cast %add3A_139 : i32 to index
      %swap3A_149 = tpu.vector_load %arg11[%swap3A] {strides = array<i32>} : memref<512xi32, #tpu.memory_space<vmem>>, vector<16xi32>,
      %swap3A_150 = vector.shape_cast %swap3A_149 : vector<16xi32> to vector<16xi32>
      %swap3A_151 = vector.shape_cast %add3A_148 : vector<16xi32> to vector<16xi32>
      tpu.vector_store %arg11[%swap3A], %swap3A_151 {strides = array<i32>} : memref<512xi32, #tpu.memory_space<vmem>>, vector<16xi32>,
    }
    %scan3A_94 = arith.constant 32 : i32
    %dma_start3A_95 = arith.constant 0 : i32
    %dma_start3A_96 = tpu.memref_slice %arg11[%dma_start3A_95] : memref<512xi32, #tpu.memory_space<vmem>> -> memref<256xi32, #tpu.memory_space<vmem>>
    %dma_start3A_97 = arith.constant 0 : i32
    %dma_start3A_98 = arith.constant 0 : i32
    %dma_start3A_99 = tpu.memref_slice %arg6[%dma_start3A_97, %dma_start3A_98] : memref<53248x128xf32, #tpu.memory_space<hbm>> -> memref<53248x128xf32, #tpu.memory_space<hbm>>
    tpu.enqueue_indirect_dma source(%dma_start3A_99 : memref<53248x128xf32, #tpu.memory_space<hbm>>) target(%arg12 : memref<256x128xf32, #tpu.memory_space<vmem>>) offsets(%dma_start3A_96 : memref<256xi32, #tpu.memory_space<vmem>>) semaphore(%arg13 : memref<!tpu.dma_semaphore, #tpu.memory_space<semaphore_mem>>)
    %dma_wait3A_100 = arith.constant 0 : i32
    %dma_wait3A_101 = tpu.memref_slice %arg11[%dma_wait3A_100] : memref<512xi32, #tpu.memory_space<vmem>> -> memref<256xi32, #tpu.memory_space<vmem>>
    %dma_wait3A_102 = arith.constant 0 : i32
    %dma_wait3A_103 = arith.constant 0 : i32
    %dma_wait3A_104 = tpu.memref_slice %arg6[%dma_wait3A_102, %dma_wait3A_103] : memref<53248x128xf32, #tpu.memory_space<hbm>> -> memref<53248x128xf32, #tpu.memory_space<hbm>>
    tpu.wait_indirect_dma semaphore(%arg13 : memref<!tpu.dma_semaphore, #tpu.memory_space<semaphore_mem>>) src(%dma_wait3A_104 : memref<53248x128xf32, #tpu.memory_space<hbm>>) dst(%arg12 : memref<256x128xf32, #tpu.memory_space<vmem>>)
    %add3A_105 = arith.constant 0 : i32
    %add3A_106 = arith.addi %mul3A_2, %add3A_105 : i32
    %dma_start3A_107 = arith.constant 0 : i32
    %dma_start3A_108 = tpu.memref_slice %arg9[%add3A_106, %dma_start3A_107] : memref<16384x128xf32, #tpu.memory_space<hbm>> -> memref<256x128xf32, #tpu.memory_space<hbm>>
    %dma_start3A_109 = arith.constant 0 : i32
    %dma_start3A_110 = tpu.memref_slice %arg9[%add3A_106, %dma_start3A_109] : memref<16384x128xf32, #tpu.memory_space<hbm>> -> memref<256x128xf32, #tpu.memory_space<hbm>>
    tpu.enqueue_dma source(%arg12 : memref<256x128xf32, #tpu.memory_space<vmem>>) target(%dma_start3A_110 : memref<256x128xf32, #tpu.memory_space<hbm>>) target_semaphore(%arg14 : memref<!tpu.dma_semaphore, #tpu.memory_space<semaphore_mem>>)
    %dma_wait3A_111 = arith.constant 0 : i32
    %dma_wait3A_112 = tpu.memref_slice %arg9[%add3A_106, %dma_wait3A_111] : memref<16384x128xf32, #tpu.memory_space<hbm>> -> memref<256x128xf32, #tpu.memory_space<hbm>>
    %dma_wait3A_113 = arith.constant 0 : i32
    %dma_wait3A_114 = tpu.memref_slice %arg9[%add3A_106, %dma_wait3A_113] : memref<16384x128xf32, #tpu.memory_space<hbm>> -> memref<256x128xf32, #tpu.memory_space<hbm>>
    tpu.wait_dma2 semaphore(%arg14 : memref<!tpu.dma_semaphore, #tpu.memory_space<semaphore_mem>>) src(%arg12 : memref<256x128xf32, #tpu.memory_space<vmem>>) dst(%dma_wait3A_114 : memref<256x128xf32, #tpu.memory_space<hbm>>)
    %dma_start3A_115 = arith.constant 256 : i32
    %dma_start3A_116 = tpu.memref_slice %arg11[%dma_start3A_115] : memref<512xi32, #tpu.memory_space<vmem>> -> memref<256xi32, #tpu.memory_space<vmem>>
    %dma_start3A_117 = arith.constant 0 : i32
    %dma_start3A_118 = arith.constant 0 : i32
    %dma_start3A_119 = tpu.memref_slice %arg6[%dma_start3A_117, %dma_start3A_118] : memref<53248x128xf32, #tpu.memory_space<hbm>> -> memref<53248x128xf32, #tpu.memory_space<hbm>>
    tpu.enqueue_indirect_dma source(%dma_start3A_119 : memref<53248x128xf32, #tpu.memory_space<hbm>>) target(%arg12 : memref<256x128xf32, #tpu.memory_space<vmem>>) offsets(%dma_start3A_116 : memref<256xi32, #tpu.memory_space<vmem>>) semaphore(%arg13 : memref<!tpu.dma_semaphore, #tpu.memory_space<semaphore_mem>>)
    %dma_wait3A_120 = arith.constant 256 : i32
    %dma_wait3A_121 = tpu.memref_slice %arg11[%dma_wait3A_120] : memref<512xi32, #tpu.memory_space<vmem>> -> memref<256xi32, #tpu.memory_space<vmem>>
    %dma_wait3A_122 = arith.constant 0 : i32
    %dma_wait3A_123 = arith.constant 0 : i32
    %dma_wait3A_124 = tpu.memref_slice %arg6[%dma_wait3A_122, %dma_wait3A_123] : memref<53248x128xf32, #tpu.memory_space<hbm>> -> memref<53248x128xf32, #tpu.memory_space<hbm>>
    tpu.wait_indirect_dma semaphore(%arg13 : memref<!tpu.dma_semaphore, #tpu.memory_space<semaphore_mem>>) src(%dma_wait3A_124 : memref<53248x128xf32, #tpu.memory_space<hbm>>) dst(%arg12 : memref<256x128xf32, #tpu.memory_space<vmem>>)
    %add3A_125 = arith.constant 256 : i32
    %add3A_126 = arith.addi %mul3A_2, %add3A_125 : i32
    %dma_start3A_127 = arith.constant 0 : i32
    %dma_start3A_128 = tpu.memref_slice %arg9[%add3A_126, %dma_start3A_127] : memref<16384x128xf32, #tpu.memory_space<hbm>> -> memref<256x128xf32, #tpu.memory_space<hbm>>
    %dma_start3A_129 = arith.constant 0 : i32
    %dma_start3A_130 = tpu.memref_slice %arg9[%add3A_126, %dma_start3A_129] : memref<16384x128xf32, #tpu.memory_space<hbm>> -> memref<256x128xf32, #tpu.memory_space<hbm>>
    tpu.enqueue_dma source(%arg12 : memref<256x128xf32, #tpu.memory_space<vmem>>) target(%dma_start3A_130 : memref<256x128xf32, #tpu.memory_space<hbm>>) target_semaphore(%arg14 : memref<!tpu.dma_semaphore, #tpu.memory_space<semaphore_mem>>)
    %dma_wait3A_131 = arith.constant 0 : i32
    %dma_wait3A_132 = tpu.memref_slice %arg9[%add3A_126, %dma_wait3A_131] : memref<16384x128xf32, #tpu.memory_space<hbm>> -> memref<256x128xf32, #tpu.memory_space<hbm>>
    %dma_wait3A_133 = arith.constant 0 : i32
    %dma_wait3A_134 = tpu.memref_slice %arg9[%add3A_126, %dma_wait3A_133] : memref<16384x128xf32, #tpu.memory_space<hbm>> -> memref<256x128xf32, #tpu.memory_space<hbm>>
    tpu.wait_dma2 semaphore(%arg14 : memref<!tpu.dma_semaphore, #tpu.memory_space<semaphore_mem>>) src(%arg12 : memref<256x128xf32, #tpu.memory_space<vmem>>) dst(%dma_wait3A_134 : memref<256x128xf32, #tpu.memory_space<hbm>>)
    return
  }
}

module attributes {stable_mosaic.version = 14 : i64} {
  func.func @_loss_body(%arg0: i32, %arg1: memref<4096x128xf32, #tpu.memory_space<vmem>>, %arg2: memref<4096x128xf32, #tpu.memory_space<vmem>>, %arg3: memref<4096x128xf32, #tpu.memory_space<vmem>>, %arg4: memref<4096x1xf32, #tpu.memory_space<vmem>>, %arg5: memref<4096x1xf32, #tpu.memory_space<vmem>>, %arg6: memref<4096x1xf32, #tpu.memory_space<vmem>>, %arg7: memref<1x1xf32, #tpu.memory_space<vmem>>) attributes {dimension_semantics = [#tpu.dimension_semantics<arbitrary>], iteration_bounds = array<i64: 4>, scalar_prefetch = 0 : i64, scratch_operands = 0 : i64, tpu.core_type = #tpu.core_type<tc>, window_params = [{transform_indices = @transform_0, window_bounds = array<i64: 4096, 128>}, {transform_indices = @transform_1, window_bounds = array<i64: 4096, 128>}, {transform_indices = @transform_2, window_bounds = array<i64: 4096, 128>}, {transform_indices = @transform_3, window_bounds = array<i64: 4096, 1>}, {transform_indices = @transform_4, window_bounds = array<i64: 4096, 1>}, {transform_indices = @transform_5, window_bounds = array<i64: 4096, 1>}, {pipeline_mode = #tpu.pipeline_mode<synchronous>, transform_indices = @transform_6, window_bounds = array<i64: 1, 1>}]} {
    %eq3A = arith.constant 0 : i32
    %eq3A_0 = arith.cmpi eq, %arg0, %eq3A : i32
    %convert_element_type3A = arith.extui %eq3A_0 : i1 to i32
    %cond3A = arith.constant 0 : i32
    %cond3A_1 = arith.cmpi ne, %convert_element_type3A, %cond3A : i32
    scf.if %cond3A_1 {
      %broadcast_in_dim3A_116 = arith.constant 0.000000e+00 : f32
      %broadcast_in_dim3A_117 = vector.broadcast %broadcast_in_dim3A_116 : f32 to vector<1x1xf32>
      %swap3A_118 = arith.constant 0 : index
      %swap3A_119 = arith.constant 0 : index
      %swap3A_120 = vector.load %arg7[%swap3A_118, %swap3A_119] : memref<1x1xf32, #tpu.memory_space<vmem>>, vector<1x1xf32>
      tpu.vector_store %arg7[%swap3A_118, %swap3A_119], %broadcast_in_dim3A_117 {strides = array<i32>} : memref<1x1xf32, #tpu.memory_space<vmem>>, vector<1x1xf32>,
    } else {
    }
    %get3A = arith.constant 0 : index
    %get3A_2 = arith.constant 0 : index
    %get3A_3 = vector.load %arg1[%get3A, %get3A_2] : memref<4096x128xf32, #tpu.memory_space<vmem>>, vector<4096x128xf32>
    %get3A_4 = arith.constant 0 : index
    %get3A_5 = arith.constant 0 : index
    %get3A_6 = vector.load %arg4[%get3A_4, %get3A_5] : memref<4096x1xf32, #tpu.memory_space<vmem>>, vector<4096x1xf32>
    %slice3A = vector.extract_strided_slice %get3A_3 {offsets = [0, 0], sizes = [4096, 64], strides = [1, 1]} : vector<4096x128xf32> to vector<4096x64xf32>
    %sub3A = arith.constant 1.000000e+00 : f32
    %sub3A_7 = vector.broadcast %sub3A : f32 to vector<4096x1xf32>
    %sub3A_8 = arith.subf %sub3A_7, %get3A_6 : vector<4096x1xf32>
    %mul3A = vector.broadcast %sub3A_8 : vector<4096x1xf32> to vector<4096x64xf32>
    %mul3A_9 = arith.mulf %slice3A, %mul3A : vector<4096x64xf32>
    %slice3A_10 = vector.extract_strided_slice %get3A_3 {offsets = [0, 64], sizes = [4096, 64], strides = [1, 1]} : vector<4096x128xf32> to vector<4096x64xf32>
    %mul3A_11 = vector.broadcast %get3A_6 : vector<4096x1xf32> to vector<4096x64xf32>
    %mul3A_12 = arith.mulf %slice3A_10, %mul3A_11 : vector<4096x64xf32>
    %add3A = arith.addf %mul3A_9, %mul3A_12 : vector<4096x64xf32>
    %get3A_13 = arith.constant 0 : index
    %get3A_14 = arith.constant 0 : index
    %get3A_15 = vector.load %arg2[%get3A_13, %get3A_14] : memref<4096x128xf32, #tpu.memory_space<vmem>>, vector<4096x128xf32>
    %get3A_16 = arith.constant 0 : index
    %get3A_17 = arith.constant 0 : index
    %get3A_18 = vector.load %arg5[%get3A_16, %get3A_17] : memref<4096x1xf32, #tpu.memory_space<vmem>>, vector<4096x1xf32>
    %slice3A_19 = vector.extract_strided_slice %get3A_15 {offsets = [0, 0], sizes = [4096, 64], strides = [1, 1]} : vector<4096x128xf32> to vector<4096x64xf32>
    %sub3A_20 = arith.constant 1.000000e+00 : f32
    %sub3A_21 = vector.broadcast %sub3A_20 : f32 to vector<4096x1xf32>
    %sub3A_22 = arith.subf %sub3A_21, %get3A_18 : vector<4096x1xf32>
    %mul3A_23 = vector.broadcast %sub3A_22 : vector<4096x1xf32> to vector<4096x64xf32>
    %mul3A_24 = arith.mulf %slice3A_19, %mul3A_23 : vector<4096x64xf32>
    %slice3A_25 = vector.extract_strided_slice %get3A_15 {offsets = [0, 64], sizes = [4096, 64], strides = [1, 1]} : vector<4096x128xf32> to vector<4096x64xf32>
    %mul3A_26 = vector.broadcast %get3A_18 : vector<4096x1xf32> to vector<4096x64xf32>
    %mul3A_27 = arith.mulf %slice3A_25, %mul3A_26 : vector<4096x64xf32>
    %add3A_28 = arith.addf %mul3A_24, %mul3A_27 : vector<4096x64xf32>
    %get3A_29 = arith.constant 0 : index
    %get3A_30 = arith.constant 0 : index
    %get3A_31 = vector.load %arg3[%get3A_29, %get3A_30] : memref<4096x128xf32, #tpu.memory_space<vmem>>, vector<4096x128xf32>
    %get3A_32 = arith.constant 0 : index
    %get3A_33 = arith.constant 0 : index
    %get3A_34 = vector.load %arg6[%get3A_32, %get3A_33] : memref<4096x1xf32, #tpu.memory_space<vmem>>, vector<4096x1xf32>
    %slice3A_35 = vector.extract_strided_slice %get3A_31 {offsets = [0, 0], sizes = [4096, 64], strides = [1, 1]} : vector<4096x128xf32> to vector<4096x64xf32>
    %sub3A_36 = arith.constant 1.000000e+00 : f32
    %sub3A_37 = vector.broadcast %sub3A_36 : f32 to vector<4096x1xf32>
    %sub3A_38 = arith.subf %sub3A_37, %get3A_34 : vector<4096x1xf32>
    %mul3A_39 = vector.broadcast %sub3A_38 : vector<4096x1xf32> to vector<4096x64xf32>
    %mul3A_40 = arith.mulf %slice3A_35, %mul3A_39 : vector<4096x64xf32>
    %slice3A_41 = vector.extract_strided_slice %get3A_31 {offsets = [0, 64], sizes = [4096, 64], strides = [1, 1]} : vector<4096x128xf32> to vector<4096x64xf32>
    %mul3A_42 = vector.broadcast %get3A_34 : vector<4096x1xf32> to vector<4096x64xf32>
    %mul3A_43 = arith.mulf %slice3A_41, %mul3A_42 : vector<4096x64xf32>
    %add3A_44 = arith.addf %mul3A_40, %mul3A_43 : vector<4096x64xf32>
    %mul3A_45 = arith.mulf %add3A, %add3A : vector<4096x64xf32>
    %reduce_sum3A = arith.constant dense<0.000000e+00> : vector<4096xf32>
    %reduce_sum3A_46 = vector.multi_reduction <add>, %mul3A_45, %reduce_sum3A [1] : vector<4096x64xf32> to vector<4096xf32>
    %sqrt3A = math.sqrt %reduce_sum3A_46 : vector<4096xf32>
    %add3A_47 = arith.constant 9.99999993E-9 : f32
    %add3A_48 = vector.broadcast %add3A_47 : f32 to vector<4096xf32>
    %add3A_49 = arith.addf %sqrt3A, %add3A_48 : vector<4096xf32>
    %mul3A_50 = arith.mulf %add3A_28, %add3A_28 : vector<4096x64xf32>
    %reduce_sum3A_51 = arith.constant dense<0.000000e+00> : vector<4096xf32>
    %reduce_sum3A_52 = vector.multi_reduction <add>, %mul3A_50, %reduce_sum3A_51 [1] : vector<4096x64xf32> to vector<4096xf32>
    %sqrt3A_53 = math.sqrt %reduce_sum3A_52 : vector<4096xf32>
    %add3A_54 = arith.constant 9.99999993E-9 : f32
    %add3A_55 = vector.broadcast %add3A_54 : f32 to vector<4096xf32>
    %add3A_56 = arith.addf %sqrt3A_53, %add3A_55 : vector<4096xf32>
    %mul3A_57 = arith.mulf %add3A_44, %add3A_44 : vector<4096x64xf32>
    %reduce_sum3A_58 = arith.constant dense<0.000000e+00> : vector<4096xf32>
    %reduce_sum3A_59 = vector.multi_reduction <add>, %mul3A_57, %reduce_sum3A_58 [1] : vector<4096x64xf32> to vector<4096xf32>
    %sqrt3A_60 = math.sqrt %reduce_sum3A_59 : vector<4096xf32>
    %add3A_61 = arith.constant 9.99999993E-9 : f32
    %add3A_62 = vector.broadcast %add3A_61 : f32 to vector<4096xf32>
    %add3A_63 = arith.addf %sqrt3A_60, %add3A_62 : vector<4096xf32>
    %mul3A_64 = arith.mulf %add3A, %add3A_28 : vector<4096x64xf32>
    %reduce_sum3A_65 = arith.constant dense<0.000000e+00> : vector<4096xf32>
    %reduce_sum3A_66 = vector.multi_reduction <add>, %mul3A_64, %reduce_sum3A_65 [1] : vector<4096x64xf32> to vector<4096xf32>
    %mul3A_67 = arith.mulf %add3A, %add3A_44 : vector<4096x64xf32>
    %reduce_sum3A_68 = arith.constant dense<0.000000e+00> : vector<4096xf32>
    %reduce_sum3A_69 = vector.multi_reduction <add>, %mul3A_67, %reduce_sum3A_68 [1] : vector<4096x64xf32> to vector<4096xf32>
    %mul3A_70 = arith.mulf %add3A_49, %add3A_56 : vector<4096xf32>
    %div3A = arith.divf %reduce_sum3A_66, %mul3A_70 : vector<4096xf32>
    %sub3A_71 = arith.constant 1.000000e+00 : f32
    %sub3A_72 = vector.broadcast %sub3A_71 : f32 to vector<4096xf32>
    %sub3A_73 = arith.subf %sub3A_72, %div3A : vector<4096xf32>
    %mul3A_74 = arith.constant -1.000000e+01 : f32
    %mul3A_75 = vector.broadcast %mul3A_74 : f32 to vector<4096xf32>
    %mul3A_76 = arith.mulf %mul3A_75, %sub3A_73 : vector<4096xf32>
    %mul3A_77 = arith.mulf %add3A_49, %add3A_63 : vector<4096xf32>
    %div3A_78 = arith.divf %reduce_sum3A_69, %mul3A_77 : vector<4096xf32>
    %sub3A_79 = arith.constant 1.000000e+00 : f32
    %sub3A_80 = vector.broadcast %sub3A_79 : f32 to vector<4096xf32>
    %sub3A_81 = arith.subf %sub3A_80, %div3A_78 : vector<4096xf32>
    %mul3A_82 = arith.constant 1.000000e+01 : f32
    %mul3A_83 = vector.broadcast %mul3A_82 : f32 to vector<4096xf32>
    %mul3A_84 = arith.mulf %mul3A_83, %sub3A_81 : vector<4096xf32>
    %min3A = arith.constant 0.000000e+00 : f32
    %min3A_85 = vector.broadcast %min3A : f32 to vector<4096xf32>
    %min3A_86 = arith.minimumf %mul3A_76, %min3A_85 : vector<4096xf32>
    %abs3A = math.absf %mul3A_76 : vector<4096xf32>
    %neg3A = arith.constant 0.000000e+00 : f32
    %neg3A_87 = vector.broadcast %neg3A : f32 to vector<4096xf32>
    %neg3A_88 = arith.subf %neg3A_87, %abs3A : vector<4096xf32>
    %exp3A = math.exp %neg3A_88 : vector<4096xf32>
    %log1p3A = math.log1p %exp3A : vector<4096xf32>
    %sub3A_89 = arith.subf %min3A_86, %log1p3A : vector<4096xf32>
    %min3A_90 = arith.constant 0.000000e+00 : f32
    %min3A_91 = vector.broadcast %min3A_90 : f32 to vector<4096xf32>
    %min3A_92 = arith.minimumf %mul3A_84, %min3A_91 : vector<4096xf32>
    %abs3A_93 = math.absf %mul3A_84 : vector<4096xf32>
    %neg3A_94 = arith.constant 0.000000e+00 : f32
    %neg3A_95 = vector.broadcast %neg3A_94 : f32 to vector<4096xf32>
    %neg3A_96 = arith.subf %neg3A_95, %abs3A_93 : vector<4096xf32>
    %exp3A_97 = math.exp %neg3A_96 : vector<4096xf32>
    %log1p3A_98 = math.log1p %exp3A_97 : vector<4096xf32>
    %sub3A_99 = arith.subf %min3A_92, %log1p3A_98 : vector<4096xf32>
    %add3A_100 = arith.addf %sub3A_89, %sub3A_99 : vector<4096xf32>
    %reduce_sum3A_101 = vector.shape_cast %add3A_100 : vector<4096xf32> to vector<1x4096xf32>
    %reduce_sum3A_102 = arith.constant dense<0.000000e+00> : vector<1xf32>
    %reduce_sum3A_103 = vector.multi_reduction <add>, %reduce_sum3A_101, %reduce_sum3A_102 [1] : vector<1x4096xf32> to vector<1xf32>
    %reduce_sum3A_104 = vector.shape_cast %reduce_sum3A_103 : vector<1xf32> to vector<1x1xf32>
    %reduce_sum3A_105 = vector.extract %reduce_sum3A_104[0, 0] : f32 from vector<1x1xf32>
    %neg3A_106 = arith.constant 0.000000e+00 : f32
    %neg3A_107 = arith.subf %neg3A_106, %reduce_sum3A_105 : f32
    %div3A_108 = arith.constant 1.638400e+04 : f32
    %div3A_109 = arith.divf %neg3A_107, %div3A_108 : f32
    %get3A_110 = arith.constant 0 : index
    %get3A_111 = arith.constant 0 : index
    %get3A_112 = vector.load %arg7[%get3A_110, %get3A_111] : memref<1x1xf32, #tpu.memory_space<vmem>>, vector<1x1xf32>
    %broadcast_in_dim3A = vector.broadcast %div3A_109 : f32 to vector<1x1xf32>
    %add3A_113 = arith.addf %get3A_112, %broadcast_in_dim3A : vector<1x1xf32>
    %swap3A = arith.constant 0 : index
    %swap3A_114 = arith.constant 0 : index
    %swap3A_115 = vector.load %arg7[%swap3A, %swap3A_114] : memref<1x1xf32, #tpu.memory_space<vmem>>, vector<1x1xf32>
    tpu.vector_store %arg7[%swap3A, %swap3A_114], %add3A_113 {strides = array<i32>} : memref<1x1xf32, #tpu.memory_space<vmem>>, vector<1x1xf32>,
    return
  }
  func.func @transform_0(%arg0: i32) -> (i32, i32) {
    %c0_i32 = arith.constant 0 : i32
    %c0_i32_0 = arith.constant 0 : i32
    return %arg0, %c0_i32 : i32, i32
  }
  func.func @transform_1(%arg0: i32) -> (i32, i32) {
    %c0_i32 = arith.constant 0 : i32
    %c0_i32_0 = arith.constant 0 : i32
    return %arg0, %c0_i32 : i32, i32
  }
  func.func @transform_2(%arg0: i32) -> (i32, i32) {
    %c0_i32 = arith.constant 0 : i32
    %c0_i32_0 = arith.constant 0 : i32
    return %arg0, %c0_i32 : i32, i32
  }
  func.func @transform_3(%arg0: i32) -> (i32, i32) {
    %c0_i32 = arith.constant 0 : i32
    %c0_i32_0 = arith.constant 0 : i32
    return %arg0, %c0_i32 : i32, i32
  }
  func.func @transform_4(%arg0: i32) -> (i32, i32) {
    %c0_i32 = arith.constant 0 : i32
    %c0_i32_0 = arith.constant 0 : i32
    return %arg0, %c0_i32 : i32, i32
  }
  func.func @transform_5(%arg0: i32) -> (i32, i32) {
    %c0_i32 = arith.constant 0 : i32
    %c0_i32_0 = arith.constant 0 : i32
    return %arg0, %c0_i32 : i32, i32
  }
  func.func @transform_6(%arg0: i32) -> (i32, i32) {
    %c0_i32 = arith.constant 0 : i32
    %c0_i32_0 = arith.constant 0 : i32
    %c0_i32_1 = arith.constant 0 : i32
    return %c0_i32, %c0_i32_0 : i32, i32
  }
}

module attributes {stable_mosaic.version = 14 : i64} {
  func.func @_transpose_pack_body(%arg0: i32, %arg1: memref<64x8192xf32, #tpu.memory_space<vmem>>, %arg2: memref<64x8192xf32, #tpu.memory_space<vmem>>, %arg3: memref<4096x128xf32, #tpu.memory_space<vmem>>, %arg4: memref<4096x128xf32, #tpu.memory_space<vmem>>) attributes {dimension_semantics = [#tpu.dimension_semantics<arbitrary>], iteration_bounds = array<i64: 13>, scalar_prefetch = 0 : i64, scratch_operands = 0 : i64, tpu.core_type = #tpu.core_type<tc>, window_params = [{transform_indices = @transform_0, window_bounds = array<i64: 64, 8192>}, {transform_indices = @transform_1, window_bounds = array<i64: 64, 8192>}, {transform_indices = @transform_2, window_bounds = array<i64: 4096, 128>}, {transform_indices = @transform_3, window_bounds = array<i64: 4096, 128>}]} {
    %get3A = arith.constant 0 : index
    %get3A_0 = arith.constant 0 : index
    %get3A_1 = vector.load %arg1[%get3A, %get3A_0] : memref<64x8192xf32, #tpu.memory_space<vmem>>, vector<64x8192xf32>
    %slice3A = vector.extract_strided_slice %get3A_1 {offsets = [0, 0], sizes = [64, 4096], strides = [1, 1]} : vector<64x8192xf32> to vector<64x4096xf32>
    %transpose3A = tpu.transpose %slice3A, [1, 0] : vector<64x4096xf32> -> vector<4096x64xf32>
    %slice3A_2 = vector.extract_strided_slice %get3A_1 {offsets = [0, 4096], sizes = [64, 4096], strides = [1, 1]} : vector<64x8192xf32> to vector<64x4096xf32>
    %transpose3A_3 = tpu.transpose %slice3A_2, [1, 0] : vector<64x4096xf32> -> vector<4096x64xf32>
    %concatenate3A = tpu.concatenate %transpose3A, %transpose3A_3 in 1 : vector<4096x64xf32>, vector<4096x64xf32> -> vector<4096x128xf32>
    %swap3A = arith.constant 0 : index
    %swap3A_4 = arith.constant 0 : index
    %swap3A_5 = vector.load %arg3[%swap3A, %swap3A_4] : memref<4096x128xf32, #tpu.memory_space<vmem>>, vector<4096x128xf32>
    tpu.vector_store %arg3[%swap3A, %swap3A_4], %concatenate3A {strides = array<i32>} : memref<4096x128xf32, #tpu.memory_space<vmem>>, vector<4096x128xf32>,
    %get3A_6 = arith.constant 0 : index
    %get3A_7 = arith.constant 0 : index
    %get3A_8 = vector.load %arg2[%get3A_6, %get3A_7] : memref<64x8192xf32, #tpu.memory_space<vmem>>, vector<64x8192xf32>
    %slice3A_9 = vector.extract_strided_slice %get3A_8 {offsets = [0, 0], sizes = [64, 4096], strides = [1, 1]} : vector<64x8192xf32> to vector<64x4096xf32>
    %transpose3A_10 = tpu.transpose %slice3A_9, [1, 0] : vector<64x4096xf32> -> vector<4096x64xf32>
    %slice3A_11 = vector.extract_strided_slice %get3A_8 {offsets = [0, 4096], sizes = [64, 4096], strides = [1, 1]} : vector<64x8192xf32> to vector<64x4096xf32>
    %transpose3A_12 = tpu.transpose %slice3A_11, [1, 0] : vector<64x4096xf32> -> vector<4096x64xf32>
    %concatenate3A_13 = tpu.concatenate %transpose3A_10, %transpose3A_12 in 1 : vector<4096x64xf32>, vector<4096x64xf32> -> vector<4096x128xf32>
    %swap3A_14 = arith.constant 0 : index
    %swap3A_15 = arith.constant 0 : index
    %swap3A_16 = vector.load %arg4[%swap3A_14, %swap3A_15] : memref<4096x128xf32, #tpu.memory_space<vmem>>, vector<4096x128xf32>
    tpu.vector_store %arg4[%swap3A_14, %swap3A_15], %concatenate3A_13 {strides = array<i32>} : memref<4096x128xf32, #tpu.memory_space<vmem>>, vector<4096x128xf32>,
    return
  }
  func.func @transform_0(%arg0: i32) -> (i32, i32) {
    %c0_i32 = arith.constant 0 : i32
    %c0_i32_0 = arith.constant 0 : i32
    return %c0_i32, %arg0 : i32, i32
  }
  func.func @transform_1(%arg0: i32) -> (i32, i32) {
    %c0_i32 = arith.constant 0 : i32
    %c0_i32_0 = arith.constant 0 : i32
    return %c0_i32, %arg0 : i32, i32
  }
  func.func @transform_2(%arg0: i32) -> (i32, i32) {
    %c0_i32 = arith.constant 0 : i32
    %c0_i32_0 = arith.constant 0 : i32
    return %arg0, %c0_i32 : i32, i32
  }
  func.func @transform_3(%arg0: i32) -> (i32, i32) {
    %c0_i32 = arith.constant 0 : i32
    %c0_i32_0 = arith.constant 0 : i32
    return %arg0, %c0_i32 : i32, i32
  }
}

</mosaic_0001>

<sc_bundles>
// kernel: kernel.5.cloned.1.call-start
scs
__scs_entry_jumppad:
0x0: {  	(pc) =	sbr.rel $0x88, $3  }
0x1: {  	(tag) =	ssettag $0x0;
	lr =	simm.s32 $0x1  }
0x2: {  	[smem:$0x3F9C] =	sst lr;
	_ =	strace $0xD0000000  }
0x3: {  	_ = 	snop  }
0x4: {  	_ = 	snop  }
0x5: {  	_ = 	snop  }
0x6: {  	_ = 	snop  }
0x7: {  	_ = 	snop  }
__scs_overlays_trampoline_lowered:
0x8: {  	[smem:$0x3FAB] =	sst s0  }
0x9: {  	[smem:$0x3FAC] =	sst s1  }
0xa: {  	[smem:$0x3FAD] =	sst s2  }
0xb: {  	[smem:$0x3FAE] =	sst s3  }
0xc: {  	[smem:$0x3FAF] =	sst s4  }
0xd: {  	[smem:$0x3FB0] =	sst s5  }
0xe: {  	[smem:$0x3FB1] =	sst s6  }
0xf: {  	[smem:$0x3FB2] =	sst s7  }
0x10: {  	[smem:$0x3FB3] =	sst s8  }
0x11: {  	[smem:$0x3FB4] =	sst s9;
	s0 =	simm.s32 @!p0 $0x0  }
0x12: {  	s1 =	sld [smem:$0x3F9A];
	s0 =	simm.s32 @p0 $0x1  }
0x13: {  	[smem:$0x3FB5] =	sst s0;
	s0 =	simm.s32 @!p1 $0x0  }
0x14: {  	s2 =	sld [smem:$0x3F99];
	s0 =	simm.s32 @p1 $0x1  }
0x15: {  	[smem:$0x3FB6] =	sst s0;
	s0 =	simm.s32 @!p2 $0x0  }
0x16: {  	s3 =	sld [smem:$0x3FDB];
	s0 =	simm.s32 @p2 $0x1  }
0x17: {  	s4 =	simm.s32 $0x1BF5;
	[smem:$0x3FB8] =	sst s0  }
0x18: {  	s0 =	sld [smem:$0x3F9B];
	_ =	swait.ge [sflag:s4], $0x0  }
0x19: {  	s7 =	sld [smem:$0x3F9C]  }
0x1a: {  	s8 =	sadd.s32 $0xFFFFE003, lr  }
0x1b: {  	s9 =	sadd.s32 $0xFFFFFEF7, lr;
	s5 =	simm.s32 $0xFFFFFFFF;
	p2 =	slt.u32 s8, $0xFFFFF086  }
0x1c: {  	p1 =	slt.u32 s9, $0xF7A;
	s5 =	simm.s32 @!p2 $0x0  }
0x1d: {  	s5 =	simm.s32 @p1 $0x1;
	p0 =	seq.s32 s7, s2  }
0x1e: {  	s7 =	smul.u32 @!p0 $0xF7A, s2;
	p2 =	seq.s32 @!p0 s5, $0x0  }
0x1f: {  	s9 =	smul.u32 $0xF7A, s1;
	s8 =	simm.s32 @!p0 $0x1BF5;
	p2 =	por !p2, p0  }
0x20: {  	[sflag:s8] =	ssyncset.s32 @!p0 $0xFFFFF086;
	s6 =	sadd.s32 @!p0 s3, s7;
	s7 =	simm.s32 @!p0 $0x108  }
0x21: {  	s3 =	sadd.s32 s3, s9;
	s6 =	sadd.s32 @!p0 $0x88, s6;
	s7 =	simm.s32 @p2 $0x1082  }
0x22: {  	[simem:s7], [sflag:s8] =	dma.local @!p0 [hbm:s6], $0xF7A  }
0x23: {  	s9 =	sor.u32 $0xD0000000, s2;
	s6 =	simm.s32 $0x108;
	_ =	swait.ge @!p0 [sflag:s8], $0x0  }
0x24: {  	s3 =	sadd.s32 $0x88, s3;
	s6 =	simm.s32 @!p1 $0x1082;
	[sflag:s4] =	ssyncset.s32 $0xFFFFF086  }
0x25: {  	[simem:s6], [sflag:s4] =	dma.local [hbm:s3], $0xF7A  }
0x26: {  	[smem:$0x3F9C] =	sst s1;
	(tag) =	ssettag s2;
	_ =	strace s9  }
0x27: {  	s1 =	sld [smem:$0x3FAC]  }
0x28: {  	s2 =	sld [smem:$0x3FAD]  }
0x29: {  	s4 =	sld [smem:$0x3FAF]  }
0x2a: {  	p0 =	seq.s32 s5, $0x0;
	s5 =	sld [smem:$0x3FB0]  }
0x2b: {  	s6 =	sld [smem:$0x3FB1]  }
0x2c: {  	s7 =	sld [smem:$0x3FB2]  }
0x2d: {  	s3 =	simm.s32 $0x108;
	s8 =	sld [smem:$0x3FB3]  }
0x2e: {  	s3 =	simm.s32 @!p0 $0x1082;
	s9 =	sld [smem:$0x3FB4]  }
0x2f: {  	lr =	sadd.s32 s0, s3;
	s0 =	sld [smem:$0x3FAB]  }
0x30: {  	s3 =	sld [smem:$0x3FAE]  }
0x31: {  	[smem:$0x3FB7] =	sst s10  }
0x32: {  	s10 =	sld [smem:$0x3FB5];
	_ =	sdelay $0x3  }
0x33: {  	p0 =	seq.s32 s10, $0x1;
	s10 =	sld [smem:$0x3FB7];
	_ =	sdelay $0x3  }
0x34: {  	[smem:$0x3FB7] =	sst s10  }
0x35: {  	s10 =	sld [smem:$0x3FB6];
	_ =	sdelay $0x3  }
0x36: {  	p1 =	seq.s32 s10, $0x1;
	s10 =	sld [smem:$0x3FB7];
	_ =	sdelay $0x3  }
0x37: {  	[smem:$0x3FB7] =	sst s10  }
0x38: {  	s10 =	sld [smem:$0x3FB8]  }
0x39: {  	_ = 	snop;
	(pc) =	sbr.ind lr, $3  }
0x3a: {  	_ = 	snop  }
0x3b: {  	_ = 	snop  }
0x3c: {  	p2 =	seq.s32 s10, $0x1;
	s10 =	sld [smem:$0x3FB7]  }
0x3d: {  	_ =	shalt  }
0x3e: {  	_ =	shalt  }
0x3f: {  	_ =	shalt  }
0x40: {  	_ =	shalt  }
0x41: {  	_ =	shalt  }
0x42: {  	_ =	shalt  }
0x43: {  	_ =	shalt  }
0x44: {  	_ =	shalt  }
0x45: {  	_ =	shalt  }
0x46: {  	_ =	shalt  }
0x47: {  	_ =	shalt  }
0x48: {  	_ =	shalt  }
0x49: {  	_ =	shalt  }
0x4a: {  	_ =	shalt  }
0x4b: {  	_ =	shalt  }
0x4c: {  	_ =	shalt  }
0x4d: {  	_ =	shalt  }
0x4e: {  	_ =	shalt  }
0x4f: {  	_ =	shalt  }
0x50: {  	_ =	shalt  }
0x51: {  	_ =	shalt  }
0x52: {  	_ =	shalt  }
0x53: {  	_ =	shalt  }
0x54: {  	_ =	shalt  }
0x55: {  	_ =	shalt  }
0x56: {  	_ =	shalt  }
0x57: {  	_ =	shalt  }
0x58: {  	_ =	shalt  }
0x59: {  	_ =	shalt  }
0x5a: {  	_ =	shalt  }
0x5b: {  	_ =	shalt  }
0x5c: {  	_ =	shalt  }
0x5d: {  	_ =	shalt  }
0x5e: {  	_ =	shalt  }
0x5f: {  	_ =	shalt  }
0x60: {  	_ =	shalt  }
0x61: {  	_ =	shalt  }
0x62: {  	_ =	shalt  }
0x63: {  	_ =	shalt  }
0x64: {  	_ =	shalt  }
0x65: {  	_ =	shalt  }
0x66: {  	_ =	shalt  }
0x67: {  	_ =	shalt  }
0x68: {  	_ =	shalt  }
0x69: {  	_ =	shalt  }
0x6a: {  	_ =	shalt  }
0x6b: {  	_ =	shalt  }
0x6c: {  	_ =	shalt  }
0x6d: {  	_ =	shalt  }
0x6e: {  	_ =	shalt  }
0x6f: {  	_ =	shalt  }
0x70: {  	_ =	shalt  }
0x71: {  	_ =	shalt  }
0x72: {  	_ =	shalt  }
0x73: {  	_ =	shalt  }
0x74: {  	_ =	shalt  }
0x75: {  	_ =	shalt  }
0x76: {  	_ =	shalt  }
0x77: {  	_ =	shalt  }
0x78: {  	_ =	shalt  }
0x79: {  	_ =	shalt  }
0x7a: {  	_ =	shalt  }
0x7b: {  	_ =	shalt  }
0x7c: {  	_ =	shalt  }
0x7d: {  	_ =	shalt  }
0x7e: {  	_ =	shalt  }
0x7f: {  	_ =	shalt  }
0x80: {  	_ =	shalt  }
0x81: {  	_ =	shalt  }
0x82: {  	_ =	shalt  }
0x83: {  	_ =	shalt  }
0x84: {  	_ =	shalt  }
0x85: {  	_ =	shalt  }
0x86: {  	_ =	shalt  }
0x87: {  	_ =	shalt  }
.Lfunc_end0:
.L_simem_size_0:
called_computation_lowered:
.L_overlay_start_0:
0x88: {  	s2 =	sld [smem:$0x3FD9]  }
0x89: {  	s3 =	sld [smem:$0x3FFE];
	_ =	sdelay $0x1  }
0x8a: {  	s1 =	srdreg.scid  }
0x8b: {  	s0 =	sand.u32 $0x1, s1  }
0x8c: {  	s17 =	sshll.u32 s0, $0xA;
	s2 =	sadd.s32 s3, s2  }
0x8d: {  	s2 =	sadd.s32 s2, s17  }
0x8e: {  	[smem:$0x3FC3] =	sst s2  }
0x8f: {  	_ = 	snop  }
0x90: {  	s2 =	sld [smem:$0x3FC9]  }
0x91: {  	s18 =	sld [smem:$0x3FC8]  }
0x92: {  	s4 =	sld [smem:$0x3FC7];
	(tm) =	ssettm $0x1  }
0x93: {  	s5 =	sld [smem:$0x3FFB];
	_ =	sdelay $0x3  }
0x94: {  	_ =	strace s5  }
0x95: {  	s5 =	sld [smem:$0x3FFC];
	_ =	sdelay $0x3  }
0x96: {  	_ =	strace s5  }
0x97: {  	s5 =	sld [smem:$0x3FFD];
	_ =	sdelay $0x3  }
0x98: {  	_ =	strace s5  }
0x99: {  	_ =	strace $0x8FFFFFFF  }
0x9a: {  	s19 =	sld [smem:$0x3FDB];
	_ =	sdelay $0x1  }
0x9b: {  	s6 =	simm.s32 $_scs_section_size  }
0x9c: {  	s7 =	simm.s32 $_size__tile_overlayer_lowered;
	s8 =	simm.s32 $_tile_overlayer_lowered  }
0x9d: {  	s22 =	simm.s32 $0x1BFF;
	s21 =	sshll.u32 s8, $0x1;
	s5 =	sadd.s32 s6, s19  }
0x9e: {  	s9 =	simm.s32 $0x0;
	s20 =	sshll.u32 s7, $0x1;
	s7 =	sadd.s32 s21, s5  }
0x9f: {  	[timem:s9], [sflag:s22] =	dma.local [hbm:s7], s20  }
0xa0: {  	_ =	swait.ge [sflag:s22], s20  }
0xa1: {  	s6 =	ssub.s32 $0x0, s20;
	[sflag:s22] =	ssyncset.done $0x0  }
0xa2: {  	[sflag:s22] =	ssyncadd.s32 s6;
	_ =	sdelay $0x1  }
0xa3: {  	s23 =	simm.s32 $0x1B8B  }
0xa4: {  	_ =	swait.ge [sflag:s23], $0x1  }
0xa5: {  	[sflag:s23] =	ssyncset.done $0x0  }
0xa6: {  	s25 =	simm.s32 $0x1B8E;
	s24 =	sld [smem:$0x3FFE];
	[sflag:s23] =	ssyncadd.s32 $0xFFFFFFFF  }
0xa7: {  	s26 =	simm.s32 $execute0_lowered;
	[smem:$0x3FD2] =	sst s25  }
0xa8: {  	s7 =	sshll.u32 s26, $0x1;
	_ =	strace $0x80000046;
	[dreg:$0x1] =	wrdreg $0xFFFFFFFF  }
0xa9: {  	s28 =	simm.s32 $_size_execute0_lowered;
	s5 =	sadd.s32 s5, s7;
	[dreg:$0x0] =	wrdreg $0x0  }
0xaa: {  	s7 =	sshll.u32 s28, $0x1;
	[dreg:$0x2] =	wrdreg s5  }
0xab: {  	[dreg:$0x3] =	wrdreg s7  }
0xac: {  	[dreg:$0x4] =	wrdreg $0xC0  }
0xad: {  	_ =	task [dreg:s9], $0x5FFFF  }
0xae: {  	[dreg:$0x1] =	wrdreg $0xFFFFFFFF  }
0xaf: {  	[dreg:$0x0] =	wrdreg $0x60  }
0xb0: {  	[dreg:$0x2] =	wrdreg s2  }
0xb1: {  	[dreg:$0x3] =	wrdreg s18  }
0xb2: {  	[dreg:$0x4] =	wrdreg s4  }
0xb3: {  	[dreg:$0x5] =	wrdreg s24  }
0xb4: {  	[dreg:$0x6] =	wrdreg $0x9  }
0xb5: {  	_ =	task.clear_ibuf [dreg:s9], $0x7FFFF;
	_ =	strace $0x90000046  }
0xb6: {  	s29 =	simm.s32 $0x9;
	_ =	strace $0x80000048  }
0xb7: {  	_ =	swait.ge [sflag:s29], $0x1  }
0xb8: {  	[sflag:s29] =	ssyncadd.s32 $0xFFFFFFFF  }
0xb9: {  	_ =	strace $0x90000048  }
0xba: {  	_ =	sfence  }
0xbb: {  	s30 =	sld [smem:$0x0];
	_ =	sdelay $0x2  }
0xbc: {  	s31 =	sshll.u32 s1, $0xD;
	s1 =	sshrl.u32 s1, $0x2  }
0xbd: {  	s3 =	sand.u32 $0x4000, s31;
	s1 =	sadd.s32 s1, s30  }
0xbe: {  	s0 =	sor.u32 s3, s0;
	s1 =	sshll.u32 s1, $0x11  }
0xbf: {  	s0 =	sor.u32 s1, s0  }
0xc0: {  	s0 =	sadd.s32 $0x8F2B, s0  }
0xc1: {  	[sflag:s0] =	ssyncadd.remote.s32 $0x1  }
0xc2: {  	_ =	sfence.sel $0xFFFF  }
0xc3: {  	[dreg:$0x0] =	wrdreg $0xFFFFFFFF;
	(pc) =	sbr.abs _section_cstart, $3  }
0xc4: {  	[dreg:$0x1] =	wrdreg $0xFFFFFFFF  }
0xc5: {  	_ =	task.clear_ibuf [dreg:s9], $0x2FFFF;
	_ =	strace $0x9FFFFFFF  }
0xc6: {  	(tm) =	ssettm $0x7FFFFFFF  }
0xc7: {  	_ =	shalt  }
tec
execute0_lowered:
.L_overlay_start_1:
0x0: {  	(tag) =	ssettag $0x1  }
0x1: {  	s5 =	rddreg [dreg:$0x0]  }
0x2: {  	s8 =	rddreg [dreg:$0x1]  }
0x3: {  	s11 =	rddreg [dreg:$0x2]  }
0x4: {  	s6 =	rddreg [dreg:$0x3]  }
0x5: {  	s0 =	rddreg [dreg:$0x4];
	s1 =	simm.s32 $0x0;
	s7 =	srdreg.scid  }
0x6: {  	s2 =	stileid.u32;
	s18 =	simm.s32 $0x400;
	s19 =	simm.s32 $0x1  }
0x7: {  	s20 =	simm.s32 $0x2;
	s21 =	simm.s32 $0x300;
	s22 =	simm.s32 $0x0  }
0x8: {  	[smem:$0x7FF] =	sst s1;
	s3 =	sadd.s32 $0x1400, s6;
	s4 =	sadd.s32 $0xD1400, s6  }
0x9: {  	s7 =	sand.u32 $0x1, s7;
	s9 =	sadd.s32 $0x1A1400, s6;
	s13 =	sadd.s32 $0x1E1400, s6  }
0xa: {  	s10 =	sshll.u32 s2, $0xA;
	s14 =	sadd.s32 $0x221400, s6;
	s12 =	sshll.u32 s7, $0x9  }
0xb: {  	_ =	strace $0x80000047;
	s7 =	ssub.s32 $0x2, s7;
	s10 =	sor.u32 s12, s10  }
0xc: {  	s31 =	sshrl.u32 s7, $0x1;
	s12 =	sshll.u32 s10, $0x4;
	s16 =	sshrl.u32 s10, $0x3  }
0xd: {  	s15 =	ssub.s32 s7, s31;
	s17 =	sor.u32 $0x1000, s12;
	s5 =	sadd.s32 s5, s16  }
0xe: {  	s6 =	sadd.s32 s9, s12;
	s8 =	sadd.s32 s8, s16;
	s11 =	sadd.s32 s11, s16  }
0xf: {  	s16 =	simm.s32 $0x100;
	s7 =	sadd.s32 s9, s17;
	s9 =	sadd.s32 s13, s12  }
0x10: {  	s10 =	sadd.s32 s13, s17;
	s12 =	sadd.s32 s14, s12;
	s13 =	sadd.s32 s14, s17  }
0x11: {  	s14 =	smax.u32 s15, $0x1;
	s15 =	simm.s32 $0x3;
	s17 =	simm.s32 $0x200  }
.LBB2_1:
0x12: {  	[tilespmem:s1], [sflag:$0x3] =	stream.linear.gather [hbm4b:s5+s1], $0x200, $0x38;
	[tilespmem:$0x8400] =	vst v63  }
0x13: {  	_ =	swait.ge [sflag:s15], $0x200  }
0x14: {  	[sflag:s15] =	ssyncset.done $0x0  }
0x15: {  	s23 =	simm.s32 $0x0;
	[sflag:s15] =	ssyncadd.s32 $0xFFFFFE00  }
0x16: {  	s24 =	simm.s32 $0x40;
	v0 =	vld [tilespmem:s23+$0x0]  }
.LBB2_2:
0x17: {  	_ =	sdelay $0x1  }
0x18: {  	p0 =	sne.s32 s24, $0x7C0  }
.Ltmp0:
0x19: {  	_ = 	snop;
	(pc) =	sbr.rel @p0 .LBB2_2-.Ltmp0, $4  }
0x1a: {  	v1 =	vshrl.u32 v0, $0x1  }
0x1b: {  	v2 =	vand.u32 $0xFFF, v0;
	v1 =	vand.u32 $0x7FFFF000, v1  }
0x1c: {  	s25 =	sshra.s32 s24, $0x2;
	v1 =	vor.u32 v2, v1  }
0x1d: {  	s24 =	sadd.s32 $0x40, s24;
	v0 =	vld [tilespmem:s25+$0x0];
	[tilespmem:s23+$0x200] =	vst v1;
	s23 =	smov.u32 s25  }
0x1e: {  	_ =	sdelay $0x3  }
0x1f: {  	v1 =	vshrl.u32 v0, $0x1  }
0x20: {  	v0 =	vand.u32 $0xFFF, v0;
	v1 =	vand.u32 $0x7FFFF000, v1  }
0x21: {  	v0 =	vor.u32 v0, v1  }
0x22: {  	[tilespmem:s23+$0x200] =	vst v0  }
0x23: {  	[tilespmem:s18], [sflag:$0x1] =	stream.indirect.gather [hbm4b:s3+s16], $0x80, s17, s16, $0xb8;
	[tilespmem:$0x8400] =	vst v63  }
0x24: {  	_ =	swait.ge [sflag:s19], $0x8000  }
0x25: {  	[sflag:s19] =	ssyncset.done $0x0  }
0x26: {  	s31 =	simm.s32 $0x0;
	[sflag:s19] =	ssyncadd.s32 $0xFFFF8000  }
0x27: {  	[hbm4b:s6+s31] =	stream.linear.scatter [tilespmem:s18], [sflag:$0x2], $0x8000, $0x38;
	[tilespmem:$0x8400] =	vst v63  }
0x28: {  	_ =	swait.ge [sflag:s20], $0x8000  }
0x29: {  	[sflag:s20] =	ssyncset.done $0x0  }
0x2a: {  	[sflag:s20] =	ssyncadd.s32 $0xFFFF8000  }
0x2b: {  	[tilespmem:s18], [sflag:$0x1] =	stream.indirect.gather [hbm4b:s3+s16], $0x80, s21, s16, $0xb8;
	[tilespmem:$0x8400] =	vst v63  }
0x2c: {  	_ =	swait.ge [sflag:s19], $0x8000  }
0x2d: {  	[sflag:s19] =	ssyncset.done $0x0  }
0x2e: {  	[sflag:s19] =	ssyncadd.s32 $0xFFFF8000  }
0x2f: {  	[hbm4b:s7+s31] =	stream.linear.scatter [tilespmem:s18], [sflag:$0x2], $0x8000, $0x38;
	[tilespmem:$0x8400] =	vst v63  }
0x30: {  	_ =	swait.ge [sflag:s20], $0x8000  }
0x31: {  	[sflag:s20] =	ssyncset.done $0x0  }
0x32: {  	[sflag:s20] =	ssyncadd.s32 $0xFFFF8000  }
0x33: {  	[tilespmem:s31], [sflag:$0x3] =	stream.linear.gather [hbm4b:s8+s31], $0x200, $0x38;
	[tilespmem:$0x8400] =	vst v63  }
0x34: {  	_ =	swait.ge [sflag:s15], $0x200  }
0x35: {  	[sflag:s15] =	ssyncset.done $0x0  }
0x36: {  	s23 =	simm.s32 $0x0;
	[sflag:s15] =	ssyncadd.s32 $0xFFFFFE00  }
0x37: {  	s24 =	simm.s32 $0x40;
	v0 =	vld [tilespmem:s23+$0x0]  }
.LBB2_4:
0x38: {  	_ =	sdelay $0x1  }
0x39: {  	p0 =	sne.s32 s24, $0x7C0  }
.Ltmp1:
0x3a: {  	_ = 	snop;
	(pc) =	sbr.rel @p0 .LBB2_4-.Ltmp1, $4  }
0x3b: {  	v1 =	vshrl.u32 v0, $0x1  }
0x3c: {  	v2 =	vand.u32 $0xFFF, v0;
	v1 =	vand.u32 $0x7FFFF000, v1  }
0x3d: {  	s25 =	sshra.s32 s24, $0x2;
	v1 =	vor.u32 v2, v1  }
0x3e: {  	s24 =	sadd.s32 $0x40, s24;
	v0 =	vld [tilespmem:s25+$0x0];
	[tilespmem:s23+$0x200] =	vst v1;
	s23 =	smov.u32 s25  }
0x3f: {  	_ =	sdelay $0x3  }
0x40: {  	v1 =	vshrl.u32 v0, $0x1  }
0x41: {  	v0 =	vand.u32 $0xFFF, v0;
	v1 =	vand.u32 $0x7FFFF000, v1  }
0x42: {  	v0 =	vor.u32 v0, v1  }
0x43: {  	[tilespmem:s23+$0x200] =	vst v0  }
0x44: {  	[tilespmem:s18], [sflag:$0x1] =	stream.indirect.gather [hbm4b:s4+s16], $0x80, s17, s16, $0xb8;
	[tilespmem:$0x8400] =	vst v63  }
0x45: {  	_ =	swait.ge [sflag:s19], $0x8000  }
0x46: {  	[sflag:s19] =	ssyncset.done $0x0  }
0x47: {  	s31 =	simm.s32 $0x0;
	[sflag:s19] =	ssyncadd.s32 $0xFFFF8000  }
0x48: {  	[hbm4b:s9+s31] =	stream.linear.scatter [tilespmem:s18], [sflag:$0x2], $0x8000, $0x38;
	[tilespmem:$0x8400] =	vst v63  }
0x49: {  	_ =	swait.ge [sflag:s20], $0x8000  }
0x4a: {  	[sflag:s20] =	ssyncset.done $0x0  }
0x4b: {  	[sflag:s20] =	ssyncadd.s32 $0xFFFF8000  }
0x4c: {  	[tilespmem:s18], [sflag:$0x1] =	stream.indirect.gather [hbm4b:s4+s16], $0x80, s21, s16, $0xb8;
	[tilespmem:$0x8400] =	vst v63  }
0x4d: {  	_ =	swait.ge [sflag:s19], $0x8000  }
0x4e: {  	[sflag:s19] =	ssyncset.done $0x0  }
0x4f: {  	[sflag:s19] =	ssyncadd.s32 $0xFFFF8000  }
0x50: {  	[hbm4b:s10+s31] =	stream.linear.scatter [tilespmem:s18], [sflag:$0x2], $0x8000, $0x38;
	[tilespmem:$0x8400] =	vst v63  }
0x51: {  	_ =	swait.ge [sflag:s20], $0x8000  }
0x52: {  	[sflag:s20] =	ssyncset.done $0x0  }
0x53: {  	[sflag:s20] =	ssyncadd.s32 $0xFFFF8000  }
0x54: {  	[tilespmem:s31], [sflag:$0x3] =	stream.linear.gather [hbm4b:s11+s31], $0x200, $0x38;
	[tilespmem:$0x8400] =	vst v63  }
0x55: {  	_ =	swait.ge [sflag:s15], $0x200  }
0x56: {  	[sflag:s15] =	ssyncset.done $0x0  }
0x57: {  	s23 =	simm.s32 $0x0;
	[sflag:s15] =	ssyncadd.s32 $0xFFFFFE00  }
0x58: {  	s24 =	simm.s32 $0x40;
	v0 =	vld [tilespmem:s23+$0x0]  }
.LBB2_6:
0x59: {  	_ =	sdelay $0x1  }
0x5a: {  	p0 =	sne.s32 s24, $0x7C0  }
.Ltmp2:
0x5b: {  	_ = 	snop;
	(pc) =	sbr.rel @p0 .LBB2_6-.Ltmp2, $4  }
0x5c: {  	v1 =	vshrl.u32 v0, $0x1  }
0x5d: {  	v2 =	vand.u32 $0xFFF, v0;
	v1 =	vand.u32 $0x7FFFF000, v1  }
0x5e: {  	s25 =	sshra.s32 s24, $0x2;
	v1 =	vor.u32 v2, v1  }
0x5f: {  	s24 =	sadd.s32 $0x40, s24;
	v0 =	vld [tilespmem:s25+$0x0];
	[tilespmem:s23+$0x200] =	vst v1;
	s23 =	smov.u32 s25  }
0x60: {  	_ =	sdelay $0x3  }
0x61: {  	v1 =	vshrl.u32 v0, $0x1  }
0x62: {  	v63 =	vand.u32 $0xFFF, v0;
	v1 =	vand.u32 $0x7FFFF000, v1  }
0x63: {  	v0 =	vor.u32 v63, v1  }
0x64: {  	[tilespmem:s23+$0x200] =	vst v0  }
0x65: {  	[tilespmem:s18], [sflag:$0x1] =	stream.indirect.gather [hbm4b:s4+s16], $0x80, s17, s16, $0xb8;
	[tilespmem:$0x8400] =	vst v63  }
0x66: {  	_ =	swait.ge [sflag:s19], $0x8000  }
0x67: {  	[sflag:s19] =	ssyncset.done $0x0  }
0x68: {  	[sflag:s19] =	ssyncadd.s32 $0xFFFF8000  }
0x69: {  	[hbm4b:s12+s1] =	stream.linear.scatter [tilespmem:s18], [sflag:$0x2], $0x8000, $0x38;
	[tilespmem:$0x8400] =	vst v63  }
0x6a: {  	_ =	swait.ge [sflag:s20], $0x8000  }
0x6b: {  	[sflag:s20] =	ssyncset.done $0x0  }
0x6c: {  	[sflag:s20] =	ssyncadd.s32 $0xFFFF8000  }
0x6d: {  	[tilespmem:s18], [sflag:$0x1] =	stream.indirect.gather [hbm4b:s4+s16], $0x80, s21, s16, $0xb8;
	[tilespmem:$0x8400] =	vst v63  }
0x6e: {  	s22 =	sadd.s32 $0x1, s22;
	_ =	swait.ge [sflag:s19], $0x8000  }
0x6f: {  	p0 =	sne.s32 s22, s14;
	[sflag:s19] =	ssyncset.done $0x0  }
.Ltmp3:
0x70: {  	[sflag:s19] =	ssyncadd.s32 $0xFFFF8000;
	(pc) =	sbr.rel @p0 .LBB2_1-.Ltmp3, $4  }
0x71: {  	[hbm4b:s13+s1] =	stream.linear.scatter [tilespmem:s18], [sflag:$0x2], $0x8000, $0x38;
	[tilespmem:$0x8400] =	vst v63  }
0x72: {  	_ =	swait.ge [sflag:s20], $0x8000  }
0x73: {  	[sflag:s20] =	ssyncset.done $0x0  }
0x74: {  	[sflag:s20] =	ssyncadd.s32 $0xFFFF8000  }
0x75: {  	_ =	sfence.sel $0x180000  }
0x76: {  	[bflag:$0x0] =	sbarrier.arrive $0xFFFF  }
0x77: {  	p0 =	sne.s32 s2, $0x0;
	_ =	strace $0x90000047  }
0x78: {  	s0 =	sadd.s32 @!p0 $0x100000, s0;
	[bflag:$0x2] =	sbarrier.arrive $0xFFFF  }
0x79: {  	[sflag:s0] =	ssyncadd.tile.s32 @!p0 $0x1;
	_ =	shalt  }
.Lfunc_end2:
_tile_overlayer_lowered:
.L_overlay_start_2:
0x7a: {  	(tag) =	ssettag $0x2  }
0x7b: {  	s0 =	rddreg [dreg:$0x0];
	s2 =	stileid.u32  }
0x7c: {  	s1 =	rddreg [dreg:$0x1];
	p0 =	sne.s32 s2, $0x0  }
0x7d: {  	s3 =	rddreg [dreg:$0x2];
	[bflag:$0x3] =	sbarrier.arrive $0xFFFF;
	s2 =	simm.s32 @!p0 $0x1C03  }
0x7e: {  	[timem:s3], [sflag:s2] =	dma.local @!p0 [hbm:s0], s1  }
0x7f: {  	s0 =	simm.s32 @!p0 $0x3  }
0x80: {  	_ =	swait.ge @!p0 [sflag:s0], s1  }
0x81: {  	s1 =	ssub.s32 @!p0 $0x0, s1;
	[sflag:s0] =	ssyncset.done @!p0 $0x0  }
0x82: {  	[sflag:s0] =	ssyncadd.s32 @!p0 s1  }
0x83: {  	[bflag:$0x3] =	sbarrier.arrive $0xFFFF  }
0x84: {  	_ =	shalt  }

</sc_bundles>
